<compile_context>
chip_gen: v7x
topology: tpu7x:2x2x1
jax: 0.10.2.dev20260603
libtpu: 0.0.44.dev20260713+nightly
codegen_flags: <defaults>
</compile_context>

<pallas_src>
import functools

import jax
import jax.numpy as jnp
from jax import lax
from jax.experimental import pallas as pl
from jax.experimental.pallas import tpu as pltpu
from jax.experimental.pallas import tpu_sc as plsc

N = 10000
E = 320000
D_EMB = 128
EPS = 1e-5

NC = 2
NS = 16
NW = NC * NS
CHUNK = 128
NUM_CHUNKS = E // CHUNK
ITERS_PER_TILE = -(-NUM_CHUNKS // NW)
N_PAD = 10240
ROWS_PER_TILE = N_PAD // NS
ROW_CHUNKS = ROWS_PER_TILE // CHUNK

_MESH = plsc.VectorSubcoreMesh(core_axis_name="c", subcore_axis_name="s")


def _zero_rows(rows, D):
    @pl.loop(0, CHUNK)
    def _(r):
        @pl.loop(0, D, step=16)
        def _(k):
            rows[r, pl.ds(k, 16)] = jnp.zeros((16,), jnp.float32)


def _make_segsum(D):

    @functools.partial(
        pl.kernel,
        out_type=jax.ShapeDtypeStruct((NC * N_PAD, D), jnp.float32),
        mesh=_MESH,
        scratch_types=[
            pltpu.VMEM_SHARED((N_PAD, D), jnp.float32),
            pltpu.VMEM((CHUNK, D), jnp.float32),
            pltpu.VMEM((CHUNK, D), jnp.float32),
            pltpu.VMEM((CHUNK,), jnp.int32),
            pltpu.VMEM((CHUNK,), jnp.int32),
            pltpu.VMEM((CHUNK,), jnp.int32),
            pltpu.VMEM((CHUNK,), jnp.int32),
            pltpu.SemaphoreType.DMA,
            pltpu.SemaphoreType.DMA,
        ],
        compiler_params=pltpu.CompilerParams(use_tc_tiling_on_sc=(D == 128)),
    )
    def segsum(table_hbm, src_hbm, dst_hbm, out_hbm, acc,
               rows0, rows1, sidx0, sidx1, didx0, didx1, sem0, sem1):
        cid = lax.axis_index("c")
        sid = lax.axis_index("s")
        wid = cid * NS + sid
        base = sid * ROWS_PER_TILE

        _zero_rows(rows0, D)

        @pl.loop(0, ROW_CHUNKS)
        def _(j):
            pltpu.sync_copy(rows0, acc.at[pl.ds(base + j * CHUNK, CHUNK)])

        plsc.subcore_barrier()

        @pl.loop(0, (ITERS_PER_TILE + 1) // 2)
        def _(k):
            c0 = wid + (2 * k) * NW
            c1 = wid + (2 * k + 1) * NW

            @pl.when(c0 < NUM_CHUNKS)
            def _():
                pltpu.sync_copy(src_hbm.at[pl.ds(c0 * CHUNK, CHUNK)], sidx0)
                pltpu.async_copy(table_hbm.at[sidx0], rows0, sem0)

            @pl.when(c1 < NUM_CHUNKS)
            def _():
                pltpu.sync_copy(src_hbm.at[pl.ds(c1 * CHUNK, CHUNK)], sidx1)
                pltpu.async_copy(table_hbm.at[sidx1], rows1, sem1)

            @pl.when(c0 < NUM_CHUNKS)
            def _():
                pltpu.sync_copy(dst_hbm.at[pl.ds(c0 * CHUNK, CHUNK)], didx0)
                pltpu.make_async_copy(table_hbm.at[sidx0], rows0, sem0).wait()
                pltpu.sync_copy(rows0, acc.at[didx0], add=True)

            @pl.when(c1 < NUM_CHUNKS)
            def _():
                pltpu.sync_copy(dst_hbm.at[pl.ds(c1 * CHUNK, CHUNK)], didx1)
                pltpu.make_async_copy(table_hbm.at[sidx1], rows1, sem1).wait()
                pltpu.sync_copy(rows1, acc.at[didx1], add=True)

        plsc.subcore_barrier()

        out0 = cid * N_PAD + base

        @pl.loop(0, ROW_CHUNKS)
        def _(j):
            pltpu.sync_copy(acc.at[pl.ds(base + j * CHUNK, CHUNK)],
                            out_hbm.at[pl.ds(out0 + j * CHUNK, CHUNK)])

    return segsum


_segsum = _make_segsum(D_EMB)
_segsum16 = _make_segsum(16)


RB = 1000
GB = N // RB


def _row_spec(cols):
    return pl.BlockSpec((RB, cols), lambda i: (i, 0))


def _full_spec(r, c):
    return pl.BlockSpec((r, c), lambda i: (0, 0))


def _bdot(a, b):
    return jnp.dot(a.astype(jnp.bfloat16), b.astype(jnp.bfloat16),
                   preferred_element_type=jnp.float32)


def _mm_body(p0, p1, d0, d1, hin, wl, bl, wr, hpre, msum):
    i = pl.program_id(0)
    deg = d0[:, 0:1] + d1[:, 0:1]
    agg = (p0[...] + p1[...]) / jnp.maximum(deg, 1.0)
    h = _bdot(agg, wl[...]) + bl[...] + _bdot(hin[...], wr[...])
    hpre[...] = h

    @pl.when(i == 0)
    def _():
        msum[...] = jnp.zeros_like(msum)

    msum[...] += jnp.sum(h, axis=0, keepdims=True)


def _var_body(hpre, msum, vsum):
    i = pl.program_id(0)
    m = msum[...] * (1.0 / N)
    d = hpre[...] - m

    @pl.when(i == 0)
    def _():
        vsum[...] = jnp.zeros_like(vsum)

    vsum[...] += jnp.sum(d * d, axis=0, keepdims=True)


def _make_norm(relu):
    def _norm_body(hpre, msum, vsum, g, be, out):
        m = msum[...] * (1.0 / N)
        v = vsum[...] * (1.0 / N)
        h = (hpre[...] - m) / jnp.sqrt(v + EPS) * g[...] + be[...]
        out[...] = jnp.maximum(h, 0.0) if relu else h

    return pl.pallas_call(
        _norm_body,
        grid=(GB,),
        in_specs=[_row_spec(D_EMB), _full_spec(1, 128), _full_spec(1, 128),
                  _full_spec(1, 128), _full_spec(1, 128)],
        out_specs=_row_spec(D_EMB),
        out_shape=jax.ShapeDtypeStruct((N, D_EMB), jnp.float32),
    )


_mm = pl.pallas_call(
    _mm_body,
    grid=(GB,),
    in_specs=[_row_spec(D_EMB), _row_spec(D_EMB), _row_spec(16), _row_spec(16),
              _row_spec(D_EMB), _full_spec(128, 128), _full_spec(1, 128),
              _full_spec(128, 128)],
    out_specs=(_row_spec(D_EMB), _full_spec(1, 128)),
    out_shape=(jax.ShapeDtypeStruct((N, D_EMB), jnp.float32),
               jax.ShapeDtypeStruct((1, 128), jnp.float32)),
)

_var = pl.pallas_call(
    _var_body,
    grid=(GB,),
    in_specs=[_row_spec(D_EMB), _full_spec(1, 128)],
    out_specs=_full_spec(1, 128),
    out_shape=jax.ShapeDtypeStruct((1, 128), jnp.float32),
)

_norm_relu = _make_norm(True)
_norm = _make_norm(False)


def kernel(node_type, num_inverted_predecessors, edge_index, W_enc, b_enc,
           Wl0, bl0, Wr0, g0, be0, Wl1, bl1, Wr1, g1, be1):
    x = jnp.concatenate([node_type.reshape(-1, 1),
                         num_inverted_predecessors.reshape(-1, 1)], axis=1)
    h0 = x @ W_enc + b_enc
    src = edge_index[0]
    dst = edge_index[1]

    t_deg = jnp.concatenate(
        [jnp.ones((N, 1), jnp.float32), jnp.zeros((N, 15), jnp.float32)],
        axis=1)
    degp = _segsum16(t_deg, src, dst)
    parts0 = _segsum(h0, src, dst)
    hpre0, ms0 = _mm(parts0[:N], parts0[N_PAD:N_PAD + N],
                     degp[:N], degp[N_PAD:N_PAD + N], h0,
                     Wl0, bl0.reshape(1, D_EMB), Wr0)
    vs0 = _var(hpre0, ms0)
    h1 = _norm_relu(hpre0, ms0, vs0,
                    g0.reshape(1, D_EMB), be0.reshape(1, D_EMB))

    parts1 = _segsum(h1, src, dst)
    hpre1, ms1 = _mm(parts1[:N], parts1[N_PAD:N_PAD + N],
                     degp[:N], degp[N_PAD:N_PAD + N], h1,
                     Wl1, bl1.reshape(1, D_EMB), Wr1)
    vs1 = _var(hpre1, ms1)
    return _norm(hpre1, ms1, vs1,
                 g1.reshape(1, D_EMB), be1.reshape(1, D_EMB))

# --- scband reference (transcript-rebuilt; emitter-appended) ---
"""Pipeline reference for scband-gnn-node-73512660238838 (READ-ONLY COPY).

The authoritative reference and input builder live on the scoring server;
editing this copy changes nothing except your own understanding.
"""

import jax, jax.numpy as jnp
import numpy as np

N = 10000
E = 320000
D_IN = 128
D_EMB = 128
EPS = 1e-5

def setup_inputs(seed: int = 0):
    key = jax.random.key(seed)
    ks = jax.random.split(key, 16)
    inp = {}
    inp["node_type"] = jax.random.uniform(ks[0], (N,), dtype=jnp.float32)
    inp["num_inverted_predecessors"] = jax.random.uniform(ks[1], (N,), dtype=jnp.float32)
    inp["edge_index"] = jax.random.randint(ks[2], (2, E), 0, N, dtype=jnp.int32)
    inp["W_enc"] = jax.random.normal(ks[3], (2, D_IN), dtype=jnp.float32) * 0.1
    inp["b_enc"] = jnp.zeros((D_IN,), dtype=jnp.float32)
    inp["Wl0"] = jax.random.normal(ks[4], (D_IN, D_EMB), dtype=jnp.float32) * 0.05
    inp["bl0"] = jnp.zeros((D_EMB,), dtype=jnp.float32)
    inp["Wr0"] = jax.random.normal(ks[5], (D_IN, D_EMB), dtype=jnp.float32) * 0.05
    inp["g0"] = jnp.ones((D_EMB,), dtype=jnp.float32)
    inp["be0"] = jnp.zeros((D_EMB,), dtype=jnp.float32)
    inp["Wl1"] = jax.random.normal(ks[6], (D_EMB, D_EMB), dtype=jnp.float32) * 0.05
    inp["bl1"] = jnp.zeros((D_EMB,), dtype=jnp.float32)
    inp["Wr1"] = jax.random.normal(ks[7], (D_EMB, D_EMB), dtype=jnp.float32) * 0.05
    inp["g1"] = jnp.ones((D_EMB,), dtype=jnp.float32)
    inp["be1"] = jnp.zeros((D_EMB,), dtype=jnp.float32)
    return inp

def _sage(h, src, dst, Wl, bl, Wr):
    # PyG SAGEConv with mean aggregation: lin_l(mean_agg(x_src -> dst)) + lin_r(x)
    msg = h[src]
    agg = jax.ops.segment_sum(msg, dst, num_segments=N)
    deg = jax.ops.segment_sum(jnp.ones((src.shape[0],), jnp.float32), dst, num_segments=N)
    agg = agg / jnp.clip(deg, 1.0, None)[:, None]
    return agg @ Wl + bl + h @ Wr

def _bn(h, g, b):
    # BatchNorm1d in training mode (biased batch statistics)
    m = jnp.mean(h, axis=0)
    v = jnp.var(h, axis=0)
    return (h - m) / jnp.sqrt(v + EPS) * g + b

def reference(node_type, num_inverted_predecessors, edge_index, W_enc, b_enc, Wl0, bl0, Wr0, g0, be0, Wl1, bl1, Wr1, g1, be1):
    x = jnp.concatenate([node_type.reshape(-1, 1), num_inverted_predecessors.reshape(-1, 1)], axis=1)
    h = x @ W_enc + b_enc  # node_encoder = Linear(2, D_IN)
    src, dst = edge_index[0], edge_index[1]
    h = _sage(h, src, dst, Wl0, bl0, Wr0)
    h = _bn(h, g0, be0)
    h = jax.nn.relu(h)
    h = _sage(h, src, dst, Wl1, bl1, Wr1)
    h = _bn(h, g1, be1)
    return h

if __name__ == "__main__":
    import jax
    _d = setup_inputs()
    print(jax.jit(kernel)(*tuple(_d.values())))

</pallas_src>

<mosaic_0001>
#map = affine_map<(d0, d1) -> (0, 0)>
#map1 = affine_map<(d0, d1) -> (0)>
module attributes {stable_mosaic.version = 14 : i64} {
  func.func @segsum(%arg0: i32, %arg1: i32, %arg2: memref<10000x128xf32, #tpu.memory_space<hbm>>, %arg3: memref<320000xi32, #tpu.memory_space<hbm>>, %arg4: memref<320000xi32, #tpu.memory_space<hbm>>, %arg5: memref<20480x128xf32, #tpu.memory_space<hbm>>, %arg6: memref<10240x128xf32, #tpu.memory_space<vmem_shared>>, %arg7: memref<128x128xf32, #tpu.memory_space<vmem>>, %arg8: memref<128x128xf32, #tpu.memory_space<vmem>>, %arg9: memref<128xi32, #tpu.memory_space<vmem>>, %arg10: memref<128xi32, #tpu.memory_space<vmem>>, %arg11: memref<128xi32, #tpu.memory_space<vmem>>, %arg12: memref<128xi32, #tpu.memory_space<vmem>>, %arg13: memref<!tpu.dma_semaphore, #tpu.memory_space<semaphore_mem>>, %arg14: memref<!tpu.dma_semaphore, #tpu.memory_space<semaphore_mem>>) attributes {dimension_semantics = [#tpu.dimension_semantics<core_parallel>, #tpu.dimension_semantics<subcore_parallel>], iteration_bounds = array<i64: 2, 16>, scalar_prefetch = 0 : i64, scratch_operands = 9 : i64, tpu.core_type = #tpu.core_type<sc_vector_subcore>, window_params = [{transform_indices = #map}, {transform_indices = #map1}, {transform_indices = #map1}, {transform_indices = #map}]} {
    %mul3A = arith.constant 16 : i32
    %mul3A_0 = arith.muli %arg0, %mul3A : i32
    %add3A = arith.addi %mul3A_0, %arg1 : i32
    %mul3A_1 = arith.constant 640 : i32
    %mul3A_2 = arith.muli %arg1, %mul3A_1 : i32
    %scan3A = arith.constant 0 : i32
    %scan3A_3 = arith.constant 128 : i32
    %scan3A_4 = arith.addi %scan3A, %scan3A_3 : i32
    %scan3A_5 = arith.constant 1 : i32
    scf.for %scan3A_26 = %scan3A to %scan3A_4 step %scan3A_5  : i32 {
      %mul3A_27 = arith.constant 1 : i32
      %mul3A_28 = arith.muli %scan3A_26, %mul3A_27 : i32
      %add3A_29 = arith.constant 0 : i32
      %add3A_30 = arith.addi %add3A_29, %mul3A_28 : i32
      %scan3A_31 = arith.constant 0 : i32
      %scan3A_32 = arith.constant 8 : i32
      %scan3A_33 = arith.addi %scan3A_31, %scan3A_32 : i32
      %scan3A_34 = arith.constant 1 : i32
      scf.for %scan3A_36 = %scan3A_31 to %scan3A_33 step %scan3A_34  : i32 {
        %mul3A_37 = arith.constant 16 : i32
        %mul3A_38 = arith.muli %scan3A_36, %mul3A_37 : i32
        %add3A_39 = arith.constant 0 : i32
        %add3A_40 = arith.addi %add3A_39, %mul3A_38 : i32
        %broadcast_in_dim3A = arith.constant 0.000000e+00 : f32
        %broadcast_in_dim3A_41 = vector.broadcast %broadcast_in_dim3A : f32 to vector<16xf32>
        %swap3A = arith.index_cast %add3A_30 : i32 to index
        %swap3A_42 = arith.index_cast %add3A_40 : i32 to index
        %swap3A_43 = tpu.vector_load %arg7[%swap3A, %swap3A_42] {strides = array<i32>} : memref<128x128xf32, #tpu.memory_space<vmem>>, vector<1x16xf32>,
        %swap3A_44 = vector.shape_cast %swap3A_43 : vector<1x16xf32> to vector<16xf32>
        %swap3A_45 = vector.shape_cast %broadcast_in_dim3A_41 : vector<16xf32> to vector<1x16xf32>
        tpu.vector_store %arg7[%swap3A, %swap3A_42], %swap3A_45 {strides = array<i32>} : memref<128x128xf32, #tpu.memory_space<vmem>>, vector<1x16xf32>,
      }
      %scan3A_35 = arith.constant 8 : i32
    }
    %scan3A_6 = arith.constant 128 : i32
    %scan3A_7 = arith.constant 0 : i32
    %scan3A_8 = arith.constant 5 : i32
    %scan3A_9 = arith.addi %scan3A_7, %scan3A_8 : i32
    %scan3A_10 = arith.constant 1 : i32
    scf.for %scan3A_26 = %scan3A_7 to %scan3A_9 step %scan3A_10  : i32 {
      %mul3A_27 = arith.constant 1 : i32
      %mul3A_28 = arith.muli %scan3A_26, %mul3A_27 : i32
      %add3A_29 = arith.constant 0 : i32
      %add3A_30 = arith.addi %add3A_29, %mul3A_28 : i32
      %mul3A_31 = arith.constant 128 : i32
      %mul3A_32 = arith.muli %add3A_30, %mul3A_31 : i32
      %add3A_33 = arith.addi %mul3A_2, %mul3A_32 : i32
      "tpu.region"() ({
        %run_scoped3A = tpu.sem_alloc : memref<!tpu.dma_semaphore, #tpu.memory_space<semaphore_mem>>
        %dma_start3A = arith.constant 0 : i32
        %dma_start3A_34 = tpu.memref_slice %arg6[%add3A_33, %dma_start3A] : memref<10240x128xf32, #tpu.memory_space<vmem_shared>> -> memref<128x128xf32, #tpu.memory_space<vmem_shared>>
        %dma_start3A_35 = arith.constant 0 : i32
        %dma_start3A_36 = tpu.memref_slice %arg6[%add3A_33, %dma_start3A_35] : memref<10240x128xf32, #tpu.memory_space<vmem_shared>> -> memref<128x128xf32, #tpu.memory_space<vmem_shared>>
        tpu.enqueue_dma source(%arg7 : memref<128x128xf32, #tpu.memory_space<vmem>>) target(%dma_start3A_36 : memref<128x128xf32, #tpu.memory_space<vmem_shared>>) target_semaphore(%run_scoped3A : memref<!tpu.dma_semaphore, #tpu.memory_space<semaphore_mem>>)
        %dma_wait3A = arith.constant 0 : i32
        %dma_wait3A_37 = tpu.memref_slice %arg6[%add3A_33, %dma_wait3A] : memref<10240x128xf32, #tpu.memory_space<vmem_shared>> -> memref<128x128xf32, #tpu.memory_space<vmem_shared>>
        %dma_wait3A_38 = arith.constant 0 : i32
        %dma_wait3A_39 = tpu.memref_slice %arg6[%add3A_33, %dma_wait3A_38] : memref<10240x128xf32, #tpu.memory_space<vmem_shared>> -> memref<128x128xf32, #tpu.memory_space<vmem_shared>>
        tpu.wait_dma2 semaphore(%run_scoped3A : memref<!tpu.dma_semaphore, #tpu.memory_space<semaphore_mem>>) src(%arg7 : memref<128x128xf32, #tpu.memory_space<vmem>>) dst(%dma_wait3A_39 : memref<128x128xf32, #tpu.memory_space<vmem_shared>>)
        tpu.yield
      }) : () -> ()
    }
    %scan3A_11 = arith.constant 5 : i32
    %barrier3A = arith.constant 0 : index
    tpu.barrier barrier_id(%barrier3A)
    %scan3A_12 = arith.constant 0 : i32
    %scan3A_13 = arith.constant 40 : i32
    %scan3A_14 = arith.addi %scan3A_12, %scan3A_13 : i32
    %scan3A_15 = arith.constant 1 : i32
    scf.for %scan3A_26 = %scan3A_12 to %scan3A_14 step %scan3A_15  : i32 {
      %mul3A_27 = arith.constant 1 : i32
      %mul3A_28 = arith.muli %scan3A_26, %mul3A_27 : i32
      %add3A_29 = arith.constant 0 : i32
      %add3A_30 = arith.addi %add3A_29, %mul3A_28 : i32
      %mul3A_31 = arith.constant 2 : i32
      %mul3A_32 = arith.muli %mul3A_31, %add3A_30 : i32
      %mul3A_33 = arith.constant 32 : i32
      %mul3A_34 = arith.muli %mul3A_32, %mul3A_33 : i32
      %add3A_35 = arith.addi %add3A, %mul3A_34 : i32
      %mul3A_36 = arith.constant 2 : i32
      %mul3A_37 = arith.muli %mul3A_36, %add3A_30 : i32
      %add3A_38 = arith.constant 1 : i32
      %add3A_39 = arith.addi %mul3A_37, %add3A_38 : i32
      %mul3A_40 = arith.constant 32 : i32
      %mul3A_41 = arith.muli %add3A_39, %mul3A_40 : i32
      %add3A_42 = arith.addi %add3A, %mul3A_41 : i32
      %lt3A = arith.constant 2500 : i32
      %lt3A_43 = arith.cmpi slt, %add3A_35, %lt3A : i32
      %convert_element_type3A = arith.extui %lt3A_43 : i1 to i32
      %cond3A = arith.constant 0 : i32
      %cond3A_44 = arith.cmpi ne, %convert_element_type3A, %cond3A : i32
      scf.if %cond3A_44 {
        %mul3A_60 = arith.constant 128 : i32
        %mul3A_61 = arith.muli %add3A_35, %mul3A_60 : i32
        "tpu.region"() ({
          %run_scoped3A = tpu.sem_alloc : memref<!tpu.dma_semaphore, #tpu.memory_space<semaphore_mem>>
          %dma_start3A_64 = tpu.memref_slice %arg3[%mul3A_61] : memref<320000xi32, #tpu.memory_space<hbm>> -> memref<128xi32, #tpu.memory_space<hbm>>
          %dma_start3A_65 = tpu.memref_slice %arg3[%mul3A_61] : memref<320000xi32, #tpu.memory_space<hbm>> -> memref<128xi32, #tpu.memory_space<hbm>>
          tpu.enqueue_dma source(%dma_start3A_65 : memref<128xi32, #tpu.memory_space<hbm>>) target(%arg9 : memref<128xi32, #tpu.memory_space<vmem>>) target_semaphore(%run_scoped3A : memref<!tpu.dma_semaphore, #tpu.memory_space<semaphore_mem>>)
          %dma_wait3A = tpu.memref_slice %arg3[%mul3A_61] : memref<320000xi32, #tpu.memory_space<hbm>> -> memref<128xi32, #tpu.memory_space<hbm>>
          %dma_wait3A_66 = tpu.memref_slice %arg3[%mul3A_61] : memref<320000xi32, #tpu.memory_space<hbm>> -> memref<128xi32, #tpu.memory_space<hbm>>
          tpu.wait_dma2 semaphore(%run_scoped3A : memref<!tpu.dma_semaphore, #tpu.memory_space<semaphore_mem>>) src(%dma_wait3A_66 : memref<128xi32, #tpu.memory_space<hbm>>) dst(%arg9 : memref<128xi32, #tpu.memory_space<vmem>>)
          tpu.yield
        }) : () -> ()
        %dma_start3A = arith.constant 0 : i32
        %dma_start3A_62 = arith.constant 0 : i32
        %dma_start3A_63 = tpu.memref_slice %arg2[%dma_start3A, %dma_start3A_62] : memref<10000x128xf32, #tpu.memory_space<hbm>> -> memref<10000x128xf32, #tpu.memory_space<hbm>>
        tpu.enqueue_indirect_dma source(%dma_start3A_63 : memref<10000x128xf32, #tpu.memory_space<hbm>>) target(%arg7 : memref<128x128xf32, #tpu.memory_space<vmem>>) offsets(%arg9 : memref<128xi32, #tpu.memory_space<vmem>>) semaphore(%arg13 : memref<!tpu.dma_semaphore, #tpu.memory_space<semaphore_mem>>)
      } else {
      }
      %lt3A_45 = arith.constant 2500 : i32
      %lt3A_46 = arith.cmpi slt, %add3A_42, %lt3A_45 : i32
      %convert_element_type3A_47 = arith.extui %lt3A_46 : i1 to i32
      %cond3A_48 = arith.constant 0 : i32
      %cond3A_49 = arith.cmpi ne, %convert_element_type3A_47, %cond3A_48 : i32
      scf.if %cond3A_49 {
        %mul3A_60 = arith.constant 128 : i32
        %mul3A_61 = arith.muli %add3A_42, %mul3A_60 : i32
        "tpu.region"() ({
          %run_scoped3A = tpu.sem_alloc : memref<!tpu.dma_semaphore, #tpu.memory_space<semaphore_mem>>
          %dma_start3A_64 = tpu.memref_slice %arg3[%mul3A_61] : memref<320000xi32, #tpu.memory_space<hbm>> -> memref<128xi32, #tpu.memory_space<hbm>>
          %dma_start3A_65 = tpu.memref_slice %arg3[%mul3A_61] : memref<320000xi32, #tpu.memory_space<hbm>> -> memref<128xi32, #tpu.memory_space<hbm>>
          tpu.enqueue_dma source(%dma_start3A_65 : memref<128xi32, #tpu.memory_space<hbm>>) target(%arg10 : memref<128xi32, #tpu.memory_space<vmem>>) target_semaphore(%run_scoped3A : memref<!tpu.dma_semaphore, #tpu.memory_space<semaphore_mem>>)
          %dma_wait3A = tpu.memref_slice %arg3[%mul3A_61] : memref<320000xi32, #tpu.memory_space<hbm>> -> memref<128xi32, #tpu.memory_space<hbm>>
          %dma_wait3A_66 = tpu.memref_slice %arg3[%mul3A_61] : memref<320000xi32, #tpu.memory_space<hbm>> -> memref<128xi32, #tpu.memory_space<hbm>>
          tpu.wait_dma2 semaphore(%run_scoped3A : memref<!tpu.dma_semaphore, #tpu.memory_space<semaphore_mem>>) src(%dma_wait3A_66 : memref<128xi32, #tpu.memory_space<hbm>>) dst(%arg10 : memref<128xi32, #tpu.memory_space<vmem>>)
          tpu.yield
        }) : () -> ()
        %dma_start3A = arith.constant 0 : i32
        %dma_start3A_62 = arith.constant 0 : i32
        %dma_start3A_63 = tpu.memref_slice %arg2[%dma_start3A, %dma_start3A_62] : memref<10000x128xf32, #tpu.memory_space<hbm>> -> memref<10000x128xf32, #tpu.memory_space<hbm>>
        tpu.enqueue_indirect_dma source(%dma_start3A_63 : memref<10000x128xf32, #tpu.memory_space<hbm>>) target(%arg8 : memref<128x128xf32, #tpu.memory_space<vmem>>) offsets(%arg10 : memref<128xi32, #tpu.memory_space<vmem>>) semaphore(%arg14 : memref<!tpu.dma_semaphore, #tpu.memory_space<semaphore_mem>>)
      } else {
      }
      %lt3A_50 = arith.constant 2500 : i32
      %lt3A_51 = arith.cmpi slt, %add3A_35, %lt3A_50 : i32
      %convert_element_type3A_52 = arith.extui %lt3A_51 : i1 to i32
      %cond3A_53 = arith.constant 0 : i32
      %cond3A_54 = arith.cmpi ne, %convert_element_type3A_52, %cond3A_53 : i32
      scf.if %cond3A_54 {
        %mul3A_60 = arith.constant 128 : i32
        %mul3A_61 = arith.muli %add3A_35, %mul3A_60 : i32
        "tpu.region"() ({
          %run_scoped3A = tpu.sem_alloc : memref<!tpu.dma_semaphore, #tpu.memory_space<semaphore_mem>>
          %dma_start3A = tpu.memref_slice %arg4[%mul3A_61] : memref<320000xi32, #tpu.memory_space<hbm>> -> memref<128xi32, #tpu.memory_space<hbm>>
          %dma_start3A_64 = tpu.memref_slice %arg4[%mul3A_61] : memref<320000xi32, #tpu.memory_space<hbm>> -> memref<128xi32, #tpu.memory_space<hbm>>
          tpu.enqueue_dma source(%dma_start3A_64 : memref<128xi32, #tpu.memory_space<hbm>>) target(%arg11 : memref<128xi32, #tpu.memory_space<vmem>>) target_semaphore(%run_scoped3A : memref<!tpu.dma_semaphore, #tpu.memory_space<semaphore_mem>>)
          %dma_wait3A_65 = tpu.memref_slice %arg4[%mul3A_61] : memref<320000xi32, #tpu.memory_space<hbm>> -> memref<128xi32, #tpu.memory_space<hbm>>
          %dma_wait3A_66 = tpu.memref_slice %arg4[%mul3A_61] : memref<320000xi32, #tpu.memory_space<hbm>> -> memref<128xi32, #tpu.memory_space<hbm>>
          tpu.wait_dma2 semaphore(%run_scoped3A : memref<!tpu.dma_semaphore, #tpu.memory_space<semaphore_mem>>) src(%dma_wait3A_66 : memref<128xi32, #tpu.memory_space<hbm>>) dst(%arg11 : memref<128xi32, #tpu.memory_space<vmem>>)
          tpu.yield
        }) : () -> ()
        %dma_wait3A = arith.constant 0 : i32
        %dma_wait3A_62 = arith.constant 0 : i32
        %dma_wait3A_63 = tpu.memref_slice %arg2[%dma_wait3A, %dma_wait3A_62] : memref<10000x128xf32, #tpu.memory_space<hbm>> -> memref<10000x128xf32, #tpu.memory_space<hbm>>
        tpu.wait_indirect_dma semaphore(%arg13 : memref<!tpu.dma_semaphore, #tpu.memory_space<semaphore_mem>>) src(%dma_wait3A_63 : memref<10000x128xf32, #tpu.memory_space<hbm>>) dst(%arg7 : memref<128x128xf32, #tpu.memory_space<vmem>>)
        "tpu.region"() ({
          %run_scoped3A = tpu.sem_alloc : memref<!tpu.dma_semaphore, #tpu.memory_space<semaphore_mem>>
          %dma_start3A = arith.constant 0 : i32
          %dma_start3A_64 = arith.constant 0 : i32
          %dma_start3A_65 = tpu.memref_slice %arg6[%dma_start3A, %dma_start3A_64] : memref<10240x128xf32, #tpu.memory_space<vmem_shared>> -> memref<10240x128xf32, #tpu.memory_space<vmem_shared>>
          tpu.enqueue_indirect_dma source(%arg7 : memref<128x128xf32, #tpu.memory_space<vmem>>) target(%dma_start3A_65 : memref<10240x128xf32, #tpu.memory_space<vmem_shared>>) offsets(%arg11 : memref<128xi32, #tpu.memory_space<vmem>>) semaphore(%run_scoped3A : memref<!tpu.dma_semaphore, #tpu.memory_space<semaphore_mem>>) {add = true}
          %dma_wait3A_66 = arith.constant 0 : i32
          %dma_wait3A_67 = arith.constant 0 : i32
          %dma_wait3A_68 = tpu.memref_slice %arg6[%dma_wait3A_66, %dma_wait3A_67] : memref<10240x128xf32, #tpu.memory_space<vmem_shared>> -> memref<10240x128xf32, #tpu.memory_space<vmem_shared>>
          tpu.wait_indirect_dma semaphore(%run_scoped3A : memref<!tpu.dma_semaphore, #tpu.memory_space<semaphore_mem>>) src(%arg7 : memref<128x128xf32, #tpu.memory_space<vmem>>) dst(%dma_wait3A_68 : memref<10240x128xf32, #tpu.memory_space<vmem_shared>>)
          tpu.yield
        }) : () -> ()
      } else {
      }
      %lt3A_55 = arith.constant 2500 : i32
      %lt3A_56 = arith.cmpi slt, %add3A_42, %lt3A_55 : i32
      %convert_element_type3A_57 = arith.extui %lt3A_56 : i1 to i32
      %cond3A_58 = arith.constant 0 : i32
      %cond3A_59 = arith.cmpi ne, %convert_element_type3A_57, %cond3A_58 : i32
      scf.if %cond3A_59 {
        %mul3A_60 = arith.constant 128 : i32
        %mul3A_61 = arith.muli %add3A_42, %mul3A_60 : i32
        "tpu.region"() ({
          %run_scoped3A = tpu.sem_alloc : memref<!tpu.dma_semaphore, #tpu.memory_space<semaphore_mem>>
          %dma_start3A = tpu.memref_slice %arg4[%mul3A_61] : memref<320000xi32, #tpu.memory_space<hbm>> -> memref<128xi32, #tpu.memory_space<hbm>>
          %dma_start3A_64 = tpu.memref_slice %arg4[%mul3A_61] : memref<320000xi32, #tpu.memory_space<hbm>> -> memref<128xi32, #tpu.memory_space<hbm>>
          tpu.enqueue_dma source(%dma_start3A_64 : memref<128xi32, #tpu.memory_space<hbm>>) target(%arg12 : memref<128xi32, #tpu.memory_space<vmem>>) target_semaphore(%run_scoped3A : memref<!tpu.dma_semaphore, #tpu.memory_space<semaphore_mem>>)
          %dma_wait3A_65 = tpu.memref_slice %arg4[%mul3A_61] : memref<320000xi32, #tpu.memory_space<hbm>> -> memref<128xi32, #tpu.memory_space<hbm>>
          %dma_wait3A_66 = tpu.memref_slice %arg4[%mul3A_61] : memref<320000xi32, #tpu.memory_space<hbm>> -> memref<128xi32, #tpu.memory_space<hbm>>
          tpu.wait_dma2 semaphore(%run_scoped3A : memref<!tpu.dma_semaphore, #tpu.memory_space<semaphore_mem>>) src(%dma_wait3A_66 : memref<128xi32, #tpu.memory_space<hbm>>) dst(%arg12 : memref<128xi32, #tpu.memory_space<vmem>>)
          tpu.yield
        }) : () -> ()
        %dma_wait3A = arith.constant 0 : i32
        %dma_wait3A_62 = arith.constant 0 : i32
        %dma_wait3A_63 = tpu.memref_slice %arg2[%dma_wait3A, %dma_wait3A_62] : memref<10000x128xf32, #tpu.memory_space<hbm>> -> memref<10000x128xf32, #tpu.memory_space<hbm>>
        tpu.wait_indirect_dma semaphore(%arg14 : memref<!tpu.dma_semaphore, #tpu.memory_space<semaphore_mem>>) src(%dma_wait3A_63 : memref<10000x128xf32, #tpu.memory_space<hbm>>) dst(%arg8 : memref<128x128xf32, #tpu.memory_space<vmem>>)
        "tpu.region"() ({
          %run_scoped3A = tpu.sem_alloc : memref<!tpu.dma_semaphore, #tpu.memory_space<semaphore_mem>>
          %dma_start3A = arith.constant 0 : i32
          %dma_start3A_64 = arith.constant 0 : i32
          %dma_start3A_65 = tpu.memref_slice %arg6[%dma_start3A, %dma_start3A_64] : memref<10240x128xf32, #tpu.memory_space<vmem_shared>> -> memref<10240x128xf32, #tpu.memory_space<vmem_shared>>
          tpu.enqueue_indirect_dma source(%arg8 : memref<128x128xf32, #tpu.memory_space<vmem>>) target(%dma_start3A_65 : memref<10240x128xf32, #tpu.memory_space<vmem_shared>>) offsets(%arg12 : memref<128xi32, #tpu.memory_space<vmem>>) semaphore(%run_scoped3A : memref<!tpu.dma_semaphore, #tpu.memory_space<semaphore_mem>>) {add = true}
          %dma_wait3A_66 = arith.constant 0 : i32
          %dma_wait3A_67 = arith.constant 0 : i32
          %dma_wait3A_68 = tpu.memref_slice %arg6[%dma_wait3A_66, %dma_wait3A_67] : memref<10240x128xf32, #tpu.memory_space<vmem_shared>> -> memref<10240x128xf32, #tpu.memory_space<vmem_shared>>
          tpu.wait_indirect_dma semaphore(%run_scoped3A : memref<!tpu.dma_semaphore, #tpu.memory_space<semaphore_mem>>) src(%arg8 : memref<128x128xf32, #tpu.memory_space<vmem>>) dst(%dma_wait3A_68 : memref<10240x128xf32, #tpu.memory_space<vmem_shared>>)
          tpu.yield
        }) : () -> ()
      } else {
      }
    }
    %scan3A_16 = arith.constant 40 : i32
    %barrier3A_17 = arith.constant 0 : index
    tpu.barrier barrier_id(%barrier3A_17)
    %mul3A_18 = arith.constant 10240 : i32
    %mul3A_19 = arith.muli %arg0, %mul3A_18 : i32
    %add3A_20 = arith.addi %mul3A_19, %mul3A_2 : i32
    %scan3A_21 = arith.constant 0 : i32
    %scan3A_22 = arith.constant 5 : i32
    %scan3A_23 = arith.addi %scan3A_21, %scan3A_22 : i32
    %scan3A_24 = arith.constant 1 : i32
    scf.for %scan3A_26 = %scan3A_21 to %scan3A_23 step %scan3A_24  : i32 {
      %mul3A_27 = arith.constant 1 : i32
      %mul3A_28 = arith.muli %scan3A_26, %mul3A_27 : i32
      %add3A_29 = arith.constant 0 : i32
      %add3A_30 = arith.addi %add3A_29, %mul3A_28 : i32
      %mul3A_31 = arith.constant 128 : i32
      %mul3A_32 = arith.muli %add3A_30, %mul3A_31 : i32
      %add3A_33 = arith.addi %mul3A_2, %mul3A_32 : i32
      %mul3A_34 = arith.constant 128 : i32
      %mul3A_35 = arith.muli %add3A_30, %mul3A_34 : i32
      %add3A_36 = arith.addi %add3A_20, %mul3A_35 : i32
      "tpu.region"() ({
        %run_scoped3A = tpu.sem_alloc : memref<!tpu.dma_semaphore, #tpu.memory_space<semaphore_mem>>
        %dma_start3A = arith.constant 0 : i32
        %dma_start3A_37 = tpu.memref_slice %arg5[%add3A_36, %dma_start3A] : memref<20480x128xf32, #tpu.memory_space<hbm>> -> memref<128x128xf32, #tpu.memory_space<hbm>>
        %dma_start3A_38 = arith.constant 0 : i32
        %dma_start3A_39 = tpu.memref_slice %arg6[%add3A_33, %dma_start3A_38] : memref<10240x128xf32, #tpu.memory_space<vmem_shared>> -> memref<128x128xf32, #tpu.memory_space<vmem_shared>>
        tpu.enqueue_dma source(%dma_start3A_39 : memref<128x128xf32, #tpu.memory_space<vmem_shared>>) target(%dma_start3A_37 : memref<128x128xf32, #tpu.memory_space<hbm>>) target_semaphore(%run_scoped3A : memref<!tpu.dma_semaphore, #tpu.memory_space<semaphore_mem>>)
        %dma_wait3A = arith.constant 0 : i32
        %dma_wait3A_40 = tpu.memref_slice %arg5[%add3A_36, %dma_wait3A] : memref<20480x128xf32, #tpu.memory_space<hbm>> -> memref<128x128xf32, #tpu.memory_space<hbm>>
        %dma_wait3A_41 = arith.constant 0 : i32
        %dma_wait3A_42 = tpu.memref_slice %arg6[%add3A_33, %dma_wait3A_41] : memref<10240x128xf32, #tpu.memory_space<vmem_shared>> -> memref<128x128xf32, #tpu.memory_space<vmem_shared>>
        tpu.wait_dma2 semaphore(%run_scoped3A : memref<!tpu.dma_semaphore, #tpu.memory_space<semaphore_mem>>) src(%dma_wait3A_42 : memref<128x128xf32, #tpu.memory_space<vmem_shared>>) dst(%dma_wait3A_40 : memref<128x128xf32, #tpu.memory_space<hbm>>)
        tpu.yield
      }) : () -> ()
    }
    %scan3A_25 = arith.constant 5 : i32
    return
  }
}

#map = affine_map<(d0, d1) -> (0, 0)>
#map1 = affine_map<(d0, d1) -> (0)>
module attributes {stable_mosaic.version = 14 : i64} {
  func.func @segsum(%arg0: i32, %arg1: i32, %arg2: memref<10000x16xf32, #tpu.memory_space<hbm>>, %arg3: memref<320000xi32, #tpu.memory_space<hbm>>, %arg4: memref<320000xi32, #tpu.memory_space<hbm>>, %arg5: memref<20480x16xf32, #tpu.memory_space<hbm>>, %arg6: memref<10240x16xf32, #tpu.memory_space<vmem_shared>>, %arg7: memref<128x16xf32, #tpu.memory_space<vmem>>, %arg8: memref<128x16xf32, #tpu.memory_space<vmem>>, %arg9: memref<128xi32, #tpu.memory_space<vmem>>, %arg10: memref<128xi32, #tpu.memory_space<vmem>>, %arg11: memref<128xi32, #tpu.memory_space<vmem>>, %arg12: memref<128xi32, #tpu.memory_space<vmem>>, %arg13: memref<!tpu.dma_semaphore, #tpu.memory_space<semaphore_mem>>, %arg14: memref<!tpu.dma_semaphore, #tpu.memory_space<semaphore_mem>>) attributes {dimension_semantics = [#tpu.dimension_semantics<core_parallel>, #tpu.dimension_semantics<subcore_parallel>], iteration_bounds = array<i64: 2, 16>, scalar_prefetch = 0 : i64, scratch_operands = 9 : i64, tpu.core_type = #tpu.core_type<sc_vector_subcore>, window_params = [{transform_indices = #map}, {transform_indices = #map1}, {transform_indices = #map1}, {transform_indices = #map}]} {
    %mul3A = arith.constant 16 : i32
    %mul3A_0 = arith.muli %arg0, %mul3A : i32
    %add3A = arith.addi %mul3A_0, %arg1 : i32
    %mul3A_1 = arith.constant 640 : i32
    %mul3A_2 = arith.muli %arg1, %mul3A_1 : i32
    %scan3A = arith.constant 0 : i32
    %scan3A_3 = arith.constant 128 : i32
    %scan3A_4 = arith.addi %scan3A, %scan3A_3 : i32
    %scan3A_5 = arith.constant 1 : i32
    scf.for %scan3A_26 = %scan3A to %scan3A_4 step %scan3A_5  : i32 {
      %mul3A_27 = arith.constant 1 : i32
      %mul3A_28 = arith.muli %scan3A_26, %mul3A_27 : i32
      %add3A_29 = arith.constant 0 : i32
      %add3A_30 = arith.addi %add3A_29, %mul3A_28 : i32
      %scan3A_31 = arith.constant 0 : i32
      %mul3A_32 = arith.constant 16 : i32
      %mul3A_33 = arith.muli %scan3A_31, %mul3A_32 : i32
      %add3A_34 = arith.constant 0 : i32
      %add3A_35 = arith.addi %add3A_34, %mul3A_33 : i32
      %broadcast_in_dim3A = arith.constant 0.000000e+00 : f32
      %broadcast_in_dim3A_36 = vector.broadcast %broadcast_in_dim3A : f32 to vector<16xf32>
      %swap3A = arith.index_cast %add3A_30 : i32 to index
      %swap3A_37 = arith.index_cast %add3A_35 : i32 to index
      %swap3A_38 = tpu.vector_load %arg7[%swap3A, %swap3A_37] {strides = array<i32>} : memref<128x16xf32, #tpu.memory_space<vmem>>, vector<1x16xf32>,
      %swap3A_39 = vector.shape_cast %swap3A_38 : vector<1x16xf32> to vector<16xf32>
      %swap3A_40 = vector.shape_cast %broadcast_in_dim3A_36 : vector<16xf32> to vector<1x16xf32>
      tpu.vector_store %arg7[%swap3A, %swap3A_37], %swap3A_40 {strides = array<i32>} : memref<128x16xf32, #tpu.memory_space<vmem>>, vector<1x16xf32>,
      %scan3A_41 = arith.constant 1 : i32
    }
    %scan3A_6 = arith.constant 128 : i32
    %scan3A_7 = arith.constant 0 : i32
    %scan3A_8 = arith.constant 5 : i32
    %scan3A_9 = arith.addi %scan3A_7, %scan3A_8 : i32
    %scan3A_10 = arith.constant 1 : i32
    scf.for %scan3A_26 = %scan3A_7 to %scan3A_9 step %scan3A_10  : i32 {
      %mul3A_27 = arith.constant 1 : i32
      %mul3A_28 = arith.muli %scan3A_26, %mul3A_27 : i32
      %add3A_29 = arith.constant 0 : i32
      %add3A_30 = arith.addi %add3A_29, %mul3A_28 : i32
      %mul3A_31 = arith.constant 128 : i32
      %mul3A_32 = arith.muli %add3A_30, %mul3A_31 : i32
      %add3A_33 = arith.addi %mul3A_2, %mul3A_32 : i32
      "tpu.region"() ({
        %run_scoped3A = tpu.sem_alloc : memref<!tpu.dma_semaphore, #tpu.memory_space<semaphore_mem>>
        %dma_start3A = arith.constant 0 : i32
        %dma_start3A_34 = tpu.memref_slice %arg6[%add3A_33, %dma_start3A] : memref<10240x16xf32, #tpu.memory_space<vmem_shared>> -> memref<128x16xf32, #tpu.memory_space<vmem_shared>>
        %dma_start3A_35 = arith.constant 0 : i32
        %dma_start3A_36 = tpu.memref_slice %arg6[%add3A_33, %dma_start3A_35] : memref<10240x16xf32, #tpu.memory_space<vmem_shared>> -> memref<128x16xf32, #tpu.memory_space<vmem_shared>>
        tpu.enqueue_dma source(%arg7 : memref<128x16xf32, #tpu.memory_space<vmem>>) target(%dma_start3A_36 : memref<128x16xf32, #tpu.memory_space<vmem_shared>>) target_semaphore(%run_scoped3A : memref<!tpu.dma_semaphore, #tpu.memory_space<semaphore_mem>>)
        %dma_wait3A = arith.constant 0 : i32
        %dma_wait3A_37 = tpu.memref_slice %arg6[%add3A_33, %dma_wait3A] : memref<10240x16xf32, #tpu.memory_space<vmem_shared>> -> memref<128x16xf32, #tpu.memory_space<vmem_shared>>
        %dma_wait3A_38 = arith.constant 0 : i32
        %dma_wait3A_39 = tpu.memref_slice %arg6[%add3A_33, %dma_wait3A_38] : memref<10240x16xf32, #tpu.memory_space<vmem_shared>> -> memref<128x16xf32, #tpu.memory_space<vmem_shared>>
        tpu.wait_dma2 semaphore(%run_scoped3A : memref<!tpu.dma_semaphore, #tpu.memory_space<semaphore_mem>>) src(%arg7 : memref<128x16xf32, #tpu.memory_space<vmem>>) dst(%dma_wait3A_39 : memref<128x16xf32, #tpu.memory_space<vmem_shared>>)
        tpu.yield
      }) : () -> ()
    }
    %scan3A_11 = arith.constant 5 : i32
    %barrier3A = arith.constant 0 : index
    tpu.barrier barrier_id(%barrier3A)
    %scan3A_12 = arith.constant 0 : i32
    %scan3A_13 = arith.constant 40 : i32
    %scan3A_14 = arith.addi %scan3A_12, %scan3A_13 : i32
    %scan3A_15 = arith.constant 1 : i32
    scf.for %scan3A_26 = %scan3A_12 to %scan3A_14 step %scan3A_15  : i32 {
      %mul3A_27 = arith.constant 1 : i32
      %mul3A_28 = arith.muli %scan3A_26, %mul3A_27 : i32
      %add3A_29 = arith.constant 0 : i32
      %add3A_30 = arith.addi %add3A_29, %mul3A_28 : i32
      %mul3A_31 = arith.constant 2 : i32
      %mul3A_32 = arith.muli %mul3A_31, %add3A_30 : i32
      %mul3A_33 = arith.constant 32 : i32
      %mul3A_34 = arith.muli %mul3A_32, %mul3A_33 : i32
      %add3A_35 = arith.addi %add3A, %mul3A_34 : i32
      %mul3A_36 = arith.constant 2 : i32
      %mul3A_37 = arith.muli %mul3A_36, %add3A_30 : i32
      %add3A_38 = arith.constant 1 : i32
      %add3A_39 = arith.addi %mul3A_37, %add3A_38 : i32
      %mul3A_40 = arith.constant 32 : i32
      %mul3A_41 = arith.muli %add3A_39, %mul3A_40 : i32
      %add3A_42 = arith.addi %add3A, %mul3A_41 : i32
      %lt3A = arith.constant 2500 : i32
      %lt3A_43 = arith.cmpi slt, %add3A_35, %lt3A : i32
      %convert_element_type3A = arith.extui %lt3A_43 : i1 to i32
      %cond3A = arith.constant 0 : i32
      %cond3A_44 = arith.cmpi ne, %convert_element_type3A, %cond3A : i32
      scf.if %cond3A_44 {
        %mul3A_60 = arith.constant 128 : i32
        %mul3A_61 = arith.muli %add3A_35, %mul3A_60 : i32
        "tpu.region"() ({
          %run_scoped3A = tpu.sem_alloc : memref<!tpu.dma_semaphore, #tpu.memory_space<semaphore_mem>>
          %dma_start3A_64 = tpu.memref_slice %arg3[%mul3A_61] : memref<320000xi32, #tpu.memory_space<hbm>> -> memref<128xi32, #tpu.memory_space<hbm>>
          %dma_start3A_65 = tpu.memref_slice %arg3[%mul3A_61] : memref<320000xi32, #tpu.memory_space<hbm>> -> memref<128xi32, #tpu.memory_space<hbm>>
          tpu.enqueue_dma source(%dma_start3A_65 : memref<128xi32, #tpu.memory_space<hbm>>) target(%arg9 : memref<128xi32, #tpu.memory_space<vmem>>) target_semaphore(%run_scoped3A : memref<!tpu.dma_semaphore, #tpu.memory_space<semaphore_mem>>)
          %dma_wait3A = tpu.memref_slice %arg3[%mul3A_61] : memref<320000xi32, #tpu.memory_space<hbm>> -> memref<128xi32, #tpu.memory_space<hbm>>
          %dma_wait3A_66 = tpu.memref_slice %arg3[%mul3A_61] : memref<320000xi32, #tpu.memory_space<hbm>> -> memref<128xi32, #tpu.memory_space<hbm>>
          tpu.wait_dma2 semaphore(%run_scoped3A : memref<!tpu.dma_semaphore, #tpu.memory_space<semaphore_mem>>) src(%dma_wait3A_66 : memref<128xi32, #tpu.memory_space<hbm>>) dst(%arg9 : memref<128xi32, #tpu.memory_space<vmem>>)
          tpu.yield
        }) : () -> ()
        %dma_start3A = arith.constant 0 : i32
        %dma_start3A_62 = arith.constant 0 : i32
        %dma_start3A_63 = tpu.memref_slice %arg2[%dma_start3A, %dma_start3A_62] : memref<10000x16xf32, #tpu.memory_space<hbm>> -> memref<10000x16xf32, #tpu.memory_space<hbm>>
        tpu.enqueue_indirect_dma source(%dma_start3A_63 : memref<10000x16xf32, #tpu.memory_space<hbm>>) target(%arg7 : memref<128x16xf32, #tpu.memory_space<vmem>>) offsets(%arg9 : memref<128xi32, #tpu.memory_space<vmem>>) semaphore(%arg13 : memref<!tpu.dma_semaphore, #tpu.memory_space<semaphore_mem>>)
      } else {
      }
      %lt3A_45 = arith.constant 2500 : i32
      %lt3A_46 = arith.cmpi slt, %add3A_42, %lt3A_45 : i32
      %convert_element_type3A_47 = arith.extui %lt3A_46 : i1 to i32
      %cond3A_48 = arith.constant 0 : i32
      %cond3A_49 = arith.cmpi ne, %convert_element_type3A_47, %cond3A_48 : i32
      scf.if %cond3A_49 {
        %mul3A_60 = arith.constant 128 : i32
        %mul3A_61 = arith.muli %add3A_42, %mul3A_60 : i32
        "tpu.region"() ({
          %run_scoped3A = tpu.sem_alloc : memref<!tpu.dma_semaphore, #tpu.memory_space<semaphore_mem>>
          %dma_start3A_64 = tpu.memref_slice %arg3[%mul3A_61] : memref<320000xi32, #tpu.memory_space<hbm>> -> memref<128xi32, #tpu.memory_space<hbm>>
          %dma_start3A_65 = tpu.memref_slice %arg3[%mul3A_61] : memref<320000xi32, #tpu.memory_space<hbm>> -> memref<128xi32, #tpu.memory_space<hbm>>
          tpu.enqueue_dma source(%dma_start3A_65 : memref<128xi32, #tpu.memory_space<hbm>>) target(%arg10 : memref<128xi32, #tpu.memory_space<vmem>>) target_semaphore(%run_scoped3A : memref<!tpu.dma_semaphore, #tpu.memory_space<semaphore_mem>>)
          %dma_wait3A = tpu.memref_slice %arg3[%mul3A_61] : memref<320000xi32, #tpu.memory_space<hbm>> -> memref<128xi32, #tpu.memory_space<hbm>>
          %dma_wait3A_66 = tpu.memref_slice %arg3[%mul3A_61] : memref<320000xi32, #tpu.memory_space<hbm>> -> memref<128xi32, #tpu.memory_space<hbm>>
          tpu.wait_dma2 semaphore(%run_scoped3A : memref<!tpu.dma_semaphore, #tpu.memory_space<semaphore_mem>>) src(%dma_wait3A_66 : memref<128xi32, #tpu.memory_space<hbm>>) dst(%arg10 : memref<128xi32, #tpu.memory_space<vmem>>)
          tpu.yield
        }) : () -> ()
        %dma_start3A = arith.constant 0 : i32
        %dma_start3A_62 = arith.constant 0 : i32
        %dma_start3A_63 = tpu.memref_slice %arg2[%dma_start3A, %dma_start3A_62] : memref<10000x16xf32, #tpu.memory_space<hbm>> -> memref<10000x16xf32, #tpu.memory_space<hbm>>
        tpu.enqueue_indirect_dma source(%dma_start3A_63 : memref<10000x16xf32, #tpu.memory_space<hbm>>) target(%arg8 : memref<128x16xf32, #tpu.memory_space<vmem>>) offsets(%arg10 : memref<128xi32, #tpu.memory_space<vmem>>) semaphore(%arg14 : memref<!tpu.dma_semaphore, #tpu.memory_space<semaphore_mem>>)
      } else {
      }
      %lt3A_50 = arith.constant 2500 : i32
      %lt3A_51 = arith.cmpi slt, %add3A_35, %lt3A_50 : i32
      %convert_element_type3A_52 = arith.extui %lt3A_51 : i1 to i32
      %cond3A_53 = arith.constant 0 : i32
      %cond3A_54 = arith.cmpi ne, %convert_element_type3A_52, %cond3A_53 : i32
      scf.if %cond3A_54 {
        %mul3A_60 = arith.constant 128 : i32
        %mul3A_61 = arith.muli %add3A_35, %mul3A_60 : i32
        "tpu.region"() ({
          %run_scoped3A = tpu.sem_alloc : memref<!tpu.dma_semaphore, #tpu.memory_space<semaphore_mem>>
          %dma_start3A = tpu.memref_slice %arg4[%mul3A_61] : memref<320000xi32, #tpu.memory_space<hbm>> -> memref<128xi32, #tpu.memory_space<hbm>>
          %dma_start3A_64 = tpu.memref_slice %arg4[%mul3A_61] : memref<320000xi32, #tpu.memory_space<hbm>> -> memref<128xi32, #tpu.memory_space<hbm>>
          tpu.enqueue_dma source(%dma_start3A_64 : memref<128xi32, #tpu.memory_space<hbm>>) target(%arg11 : memref<128xi32, #tpu.memory_space<vmem>>) target_semaphore(%run_scoped3A : memref<!tpu.dma_semaphore, #tpu.memory_space<semaphore_mem>>)
          %dma_wait3A_65 = tpu.memref_slice %arg4[%mul3A_61] : memref<320000xi32, #tpu.memory_space<hbm>> -> memref<128xi32, #tpu.memory_space<hbm>>
          %dma_wait3A_66 = tpu.memref_slice %arg4[%mul3A_61] : memref<320000xi32, #tpu.memory_space<hbm>> -> memref<128xi32, #tpu.memory_space<hbm>>
          tpu.wait_dma2 semaphore(%run_scoped3A : memref<!tpu.dma_semaphore, #tpu.memory_space<semaphore_mem>>) src(%dma_wait3A_66 : memref<128xi32, #tpu.memory_space<hbm>>) dst(%arg11 : memref<128xi32, #tpu.memory_space<vmem>>)
          tpu.yield
        }) : () -> ()
        %dma_wait3A = arith.constant 0 : i32
        %dma_wait3A_62 = arith.constant 0 : i32
        %dma_wait3A_63 = tpu.memref_slice %arg2[%dma_wait3A, %dma_wait3A_62] : memref<10000x16xf32, #tpu.memory_space<hbm>> -> memref<10000x16xf32, #tpu.memory_space<hbm>>
        tpu.wait_indirect_dma semaphore(%arg13 : memref<!tpu.dma_semaphore, #tpu.memory_space<semaphore_mem>>) src(%dma_wait3A_63 : memref<10000x16xf32, #tpu.memory_space<hbm>>) dst(%arg7 : memref<128x16xf32, #tpu.memory_space<vmem>>)
        "tpu.region"() ({
          %run_scoped3A = tpu.sem_alloc : memref<!tpu.dma_semaphore, #tpu.memory_space<semaphore_mem>>
          %dma_start3A = arith.constant 0 : i32
          %dma_start3A_64 = arith.constant 0 : i32
          %dma_start3A_65 = tpu.memref_slice %arg6[%dma_start3A, %dma_start3A_64] : memref<10240x16xf32, #tpu.memory_space<vmem_shared>> -> memref<10240x16xf32, #tpu.memory_space<vmem_shared>>
          tpu.enqueue_indirect_dma source(%arg7 : memref<128x16xf32, #tpu.memory_space<vmem>>) target(%dma_start3A_65 : memref<10240x16xf32, #tpu.memory_space<vmem_shared>>) offsets(%arg11 : memref<128xi32, #tpu.memory_space<vmem>>) semaphore(%run_scoped3A : memref<!tpu.dma_semaphore, #tpu.memory_space<semaphore_mem>>) {add = true}
          %dma_wait3A_66 = arith.constant 0 : i32
          %dma_wait3A_67 = arith.constant 0 : i32
          %dma_wait3A_68 = tpu.memref_slice %arg6[%dma_wait3A_66, %dma_wait3A_67] : memref<10240x16xf32, #tpu.memory_space<vmem_shared>> -> memref<10240x16xf32, #tpu.memory_space<vmem_shared>>
          tpu.wait_indirect_dma semaphore(%run_scoped3A : memref<!tpu.dma_semaphore, #tpu.memory_space<semaphore_mem>>) src(%arg7 : memref<128x16xf32, #tpu.memory_space<vmem>>) dst(%dma_wait3A_68 : memref<10240x16xf32, #tpu.memory_space<vmem_shared>>)
          tpu.yield
        }) : () -> ()
      } else {
      }
      %lt3A_55 = arith.constant 2500 : i32
      %lt3A_56 = arith.cmpi slt, %add3A_42, %lt3A_55 : i32
      %convert_element_type3A_57 = arith.extui %lt3A_56 : i1 to i32
      %cond3A_58 = arith.constant 0 : i32
      %cond3A_59 = arith.cmpi ne, %convert_element_type3A_57, %cond3A_58 : i32
      scf.if %cond3A_59 {
        %mul3A_60 = arith.constant 128 : i32
        %mul3A_61 = arith.muli %add3A_42, %mul3A_60 : i32
        "tpu.region"() ({
          %run_scoped3A = tpu.sem_alloc : memref<!tpu.dma_semaphore, #tpu.memory_space<semaphore_mem>>
          %dma_start3A = tpu.memref_slice %arg4[%mul3A_61] : memref<320000xi32, #tpu.memory_space<hbm>> -> memref<128xi32, #tpu.memory_space<hbm>>
          %dma_start3A_64 = tpu.memref_slice %arg4[%mul3A_61] : memref<320000xi32, #tpu.memory_space<hbm>> -> memref<128xi32, #tpu.memory_space<hbm>>
          tpu.enqueue_dma source(%dma_start3A_64 : memref<128xi32, #tpu.memory_space<hbm>>) target(%arg12 : memref<128xi32, #tpu.memory_space<vmem>>) target_semaphore(%run_scoped3A : memref<!tpu.dma_semaphore, #tpu.memory_space<semaphore_mem>>)
          %dma_wait3A_65 = tpu.memref_slice %arg4[%mul3A_61] : memref<320000xi32, #tpu.memory_space<hbm>> -> memref<128xi32, #tpu.memory_space<hbm>>
          %dma_wait3A_66 = tpu.memref_slice %arg4[%mul3A_61] : memref<320000xi32, #tpu.memory_space<hbm>> -> memref<128xi32, #tpu.memory_space<hbm>>
          tpu.wait_dma2 semaphore(%run_scoped3A : memref<!tpu.dma_semaphore, #tpu.memory_space<semaphore_mem>>) src(%dma_wait3A_66 : memref<128xi32, #tpu.memory_space<hbm>>) dst(%arg12 : memref<128xi32, #tpu.memory_space<vmem>>)
          tpu.yield
        }) : () -> ()
        %dma_wait3A = arith.constant 0 : i32
        %dma_wait3A_62 = arith.constant 0 : i32
        %dma_wait3A_63 = tpu.memref_slice %arg2[%dma_wait3A, %dma_wait3A_62] : memref<10000x16xf32, #tpu.memory_space<hbm>> -> memref<10000x16xf32, #tpu.memory_space<hbm>>
        tpu.wait_indirect_dma semaphore(%arg14 : memref<!tpu.dma_semaphore, #tpu.memory_space<semaphore_mem>>) src(%dma_wait3A_63 : memref<10000x16xf32, #tpu.memory_space<hbm>>) dst(%arg8 : memref<128x16xf32, #tpu.memory_space<vmem>>)
        "tpu.region"() ({
          %run_scoped3A = tpu.sem_alloc : memref<!tpu.dma_semaphore, #tpu.memory_space<semaphore_mem>>
          %dma_start3A = arith.constant 0 : i32
          %dma_start3A_64 = arith.constant 0 : i32
          %dma_start3A_65 = tpu.memref_slice %arg6[%dma_start3A, %dma_start3A_64] : memref<10240x16xf32, #tpu.memory_space<vmem_shared>> -> memref<10240x16xf32, #tpu.memory_space<vmem_shared>>
          tpu.enqueue_indirect_dma source(%arg8 : memref<128x16xf32, #tpu.memory_space<vmem>>) target(%dma_start3A_65 : memref<10240x16xf32, #tpu.memory_space<vmem_shared>>) offsets(%arg12 : memref<128xi32, #tpu.memory_space<vmem>>) semaphore(%run_scoped3A : memref<!tpu.dma_semaphore, #tpu.memory_space<semaphore_mem>>) {add = true}
          %dma_wait3A_66 = arith.constant 0 : i32
          %dma_wait3A_67 = arith.constant 0 : i32
          %dma_wait3A_68 = tpu.memref_slice %arg6[%dma_wait3A_66, %dma_wait3A_67] : memref<10240x16xf32, #tpu.memory_space<vmem_shared>> -> memref<10240x16xf32, #tpu.memory_space<vmem_shared>>
          tpu.wait_indirect_dma semaphore(%run_scoped3A : memref<!tpu.dma_semaphore, #tpu.memory_space<semaphore_mem>>) src(%arg8 : memref<128x16xf32, #tpu.memory_space<vmem>>) dst(%dma_wait3A_68 : memref<10240x16xf32, #tpu.memory_space<vmem_shared>>)
          tpu.yield
        }) : () -> ()
      } else {
      }
    }
    %scan3A_16 = arith.constant 40 : i32
    %barrier3A_17 = arith.constant 0 : index
    tpu.barrier barrier_id(%barrier3A_17)
    %mul3A_18 = arith.constant 10240 : i32
    %mul3A_19 = arith.muli %arg0, %mul3A_18 : i32
    %add3A_20 = arith.addi %mul3A_19, %mul3A_2 : i32
    %scan3A_21 = arith.constant 0 : i32
    %scan3A_22 = arith.constant 5 : i32
    %scan3A_23 = arith.addi %scan3A_21, %scan3A_22 : i32
    %scan3A_24 = arith.constant 1 : i32
    scf.for %scan3A_26 = %scan3A_21 to %scan3A_23 step %scan3A_24  : i32 {
      %mul3A_27 = arith.constant 1 : i32
      %mul3A_28 = arith.muli %scan3A_26, %mul3A_27 : i32
      %add3A_29 = arith.constant 0 : i32
      %add3A_30 = arith.addi %add3A_29, %mul3A_28 : i32
      %mul3A_31 = arith.constant 128 : i32
      %mul3A_32 = arith.muli %add3A_30, %mul3A_31 : i32
      %add3A_33 = arith.addi %mul3A_2, %mul3A_32 : i32
      %mul3A_34 = arith.constant 128 : i32
      %mul3A_35 = arith.muli %add3A_30, %mul3A_34 : i32
      %add3A_36 = arith.addi %add3A_20, %mul3A_35 : i32
      "tpu.region"() ({
        %run_scoped3A = tpu.sem_alloc : memref<!tpu.dma_semaphore, #tpu.memory_space<semaphore_mem>>
        %dma_start3A = arith.constant 0 : i32
        %dma_start3A_37 = tpu.memref_slice %arg5[%add3A_36, %dma_start3A] : memref<20480x16xf32, #tpu.memory_space<hbm>> -> memref<128x16xf32, #tpu.memory_space<hbm>>
        %dma_start3A_38 = arith.constant 0 : i32
        %dma_start3A_39 = tpu.memref_slice %arg6[%add3A_33, %dma_start3A_38] : memref<10240x16xf32, #tpu.memory_space<vmem_shared>> -> memref<128x16xf32, #tpu.memory_space<vmem_shared>>
        tpu.enqueue_dma source(%dma_start3A_39 : memref<128x16xf32, #tpu.memory_space<vmem_shared>>) target(%dma_start3A_37 : memref<128x16xf32, #tpu.memory_space<hbm>>) target_semaphore(%run_scoped3A : memref<!tpu.dma_semaphore, #tpu.memory_space<semaphore_mem>>)
        %dma_wait3A = arith.constant 0 : i32
        %dma_wait3A_40 = tpu.memref_slice %arg5[%add3A_36, %dma_wait3A] : memref<20480x16xf32, #tpu.memory_space<hbm>> -> memref<128x16xf32, #tpu.memory_space<hbm>>
        %dma_wait3A_41 = arith.constant 0 : i32
        %dma_wait3A_42 = tpu.memref_slice %arg6[%add3A_33, %dma_wait3A_41] : memref<10240x16xf32, #tpu.memory_space<vmem_shared>> -> memref<128x16xf32, #tpu.memory_space<vmem_shared>>
        tpu.wait_dma2 semaphore(%run_scoped3A : memref<!tpu.dma_semaphore, #tpu.memory_space<semaphore_mem>>) src(%dma_wait3A_42 : memref<128x16xf32, #tpu.memory_space<vmem_shared>>) dst(%dma_wait3A_40 : memref<128x16xf32, #tpu.memory_space<hbm>>)
        tpu.yield
      }) : () -> ()
    }
    %scan3A_25 = arith.constant 5 : i32
    return
  }
}

#map = affine_map<(d0, d1) -> (0, 0)>
#map1 = affine_map<(d0, d1) -> (0)>
module attributes {stable_mosaic.version = 14 : i64} {
  func.func @segsum(%arg0: i32, %arg1: i32, %arg2: memref<10000x128xf32, #tpu.memory_space<hbm>>, %arg3: memref<320000xi32, #tpu.memory_space<hbm>>, %arg4: memref<320000xi32, #tpu.memory_space<hbm>>, %arg5: memref<20480x128xf32, #tpu.memory_space<hbm>>, %arg6: memref<10240x128xf32, #tpu.memory_space<vmem_shared>>, %arg7: memref<128x128xf32, #tpu.memory_space<vmem>>, %arg8: memref<128x128xf32, #tpu.memory_space<vmem>>, %arg9: memref<128xi32, #tpu.memory_space<vmem>>, %arg10: memref<128xi32, #tpu.memory_space<vmem>>, %arg11: memref<128xi32, #tpu.memory_space<vmem>>, %arg12: memref<128xi32, #tpu.memory_space<vmem>>, %arg13: memref<!tpu.dma_semaphore, #tpu.memory_space<semaphore_mem>>, %arg14: memref<!tpu.dma_semaphore, #tpu.memory_space<semaphore_mem>>) attributes {dimension_semantics = [#tpu.dimension_semantics<core_parallel>, #tpu.dimension_semantics<subcore_parallel>], iteration_bounds = array<i64: 2, 16>, scalar_prefetch = 0 : i64, scratch_operands = 9 : i64, tpu.core_type = #tpu.core_type<sc_vector_subcore>, window_params = [{transform_indices = #map}, {transform_indices = #map1}, {transform_indices = #map1}, {transform_indices = #map}]} {
    %mul3A = arith.constant 16 : i32
    %mul3A_0 = arith.muli %arg0, %mul3A : i32
    %add3A = arith.addi %mul3A_0, %arg1 : i32
    %mul3A_1 = arith.constant 640 : i32
    %mul3A_2 = arith.muli %arg1, %mul3A_1 : i32
    %scan3A = arith.constant 0 : i32
    %scan3A_3 = arith.constant 128 : i32
    %scan3A_4 = arith.addi %scan3A, %scan3A_3 : i32
    %scan3A_5 = arith.constant 1 : i32
    scf.for %scan3A_26 = %scan3A to %scan3A_4 step %scan3A_5  : i32 {
      %mul3A_27 = arith.constant 1 : i32
      %mul3A_28 = arith.muli %scan3A_26, %mul3A_27 : i32
      %add3A_29 = arith.constant 0 : i32
      %add3A_30 = arith.addi %add3A_29, %mul3A_28 : i32
      %scan3A_31 = arith.constant 0 : i32
      %scan3A_32 = arith.constant 8 : i32
      %scan3A_33 = arith.addi %scan3A_31, %scan3A_32 : i32
      %scan3A_34 = arith.constant 1 : i32
      scf.for %scan3A_36 = %scan3A_31 to %scan3A_33 step %scan3A_34  : i32 {
        %mul3A_37 = arith.constant 16 : i32
        %mul3A_38 = arith.muli %scan3A_36, %mul3A_37 : i32
        %add3A_39 = arith.constant 0 : i32
        %add3A_40 = arith.addi %add3A_39, %mul3A_38 : i32
        %broadcast_in_dim3A = arith.constant 0.000000e+00 : f32
        %broadcast_in_dim3A_41 = vector.broadcast %broadcast_in_dim3A : f32 to vector<16xf32>
        %swap3A = arith.index_cast %add3A_30 : i32 to index
        %swap3A_42 = arith.index_cast %add3A_40 : i32 to index
        %swap3A_43 = tpu.vector_load %arg7[%swap3A, %swap3A_42] {strides = array<i32>} : memref<128x128xf32, #tpu.memory_space<vmem>>, vector<1x16xf32>,
        %swap3A_44 = vector.shape_cast %swap3A_43 : vector<1x16xf32> to vector<16xf32>
        %swap3A_45 = vector.shape_cast %broadcast_in_dim3A_41 : vector<16xf32> to vector<1x16xf32>
        tpu.vector_store %arg7[%swap3A, %swap3A_42], %swap3A_45 {strides = array<i32>} : memref<128x128xf32, #tpu.memory_space<vmem>>, vector<1x16xf32>,
      }
      %scan3A_35 = arith.constant 8 : i32
    }
    %scan3A_6 = arith.constant 128 : i32
    %scan3A_7 = arith.constant 0 : i32
    %scan3A_8 = arith.constant 5 : i32
    %scan3A_9 = arith.addi %scan3A_7, %scan3A_8 : i32
    %scan3A_10 = arith.constant 1 : i32
    scf.for %scan3A_26 = %scan3A_7 to %scan3A_9 step %scan3A_10  : i32 {
      %mul3A_27 = arith.constant 1 : i32
      %mul3A_28 = arith.muli %scan3A_26, %mul3A_27 : i32
      %add3A_29 = arith.constant 0 : i32
      %add3A_30 = arith.addi %add3A_29, %mul3A_28 : i32
      %mul3A_31 = arith.constant 128 : i32
      %mul3A_32 = arith.muli %add3A_30, %mul3A_31 : i32
      %add3A_33 = arith.addi %mul3A_2, %mul3A_32 : i32
      "tpu.region"() ({
        %run_scoped3A = tpu.sem_alloc : memref<!tpu.dma_semaphore, #tpu.memory_space<semaphore_mem>>
        %dma_start3A = arith.constant 0 : i32
        %dma_start3A_34 = tpu.memref_slice %arg6[%add3A_33, %dma_start3A] : memref<10240x128xf32, #tpu.memory_space<vmem_shared>> -> memref<128x128xf32, #tpu.memory_space<vmem_shared>>
        %dma_start3A_35 = arith.constant 0 : i32
        %dma_start3A_36 = tpu.memref_slice %arg6[%add3A_33, %dma_start3A_35] : memref<10240x128xf32, #tpu.memory_space<vmem_shared>> -> memref<128x128xf32, #tpu.memory_space<vmem_shared>>
        tpu.enqueue_dma source(%arg7 : memref<128x128xf32, #tpu.memory_space<vmem>>) target(%dma_start3A_36 : memref<128x128xf32, #tpu.memory_space<vmem_shared>>) target_semaphore(%run_scoped3A : memref<!tpu.dma_semaphore, #tpu.memory_space<semaphore_mem>>)
        %dma_wait3A = arith.constant 0 : i32
        %dma_wait3A_37 = tpu.memref_slice %arg6[%add3A_33, %dma_wait3A] : memref<10240x128xf32, #tpu.memory_space<vmem_shared>> -> memref<128x128xf32, #tpu.memory_space<vmem_shared>>
        %dma_wait3A_38 = arith.constant 0 : i32
        %dma_wait3A_39 = tpu.memref_slice %arg6[%add3A_33, %dma_wait3A_38] : memref<10240x128xf32, #tpu.memory_space<vmem_shared>> -> memref<128x128xf32, #tpu.memory_space<vmem_shared>>
        tpu.wait_dma2 semaphore(%run_scoped3A : memref<!tpu.dma_semaphore, #tpu.memory_space<semaphore_mem>>) src(%arg7 : memref<128x128xf32, #tpu.memory_space<vmem>>) dst(%dma_wait3A_39 : memref<128x128xf32, #tpu.memory_space<vmem_shared>>)
        tpu.yield
      }) : () -> ()
    }
    %scan3A_11 = arith.constant 5 : i32
    %barrier3A = arith.constant 0 : index
    tpu.barrier barrier_id(%barrier3A)
    %scan3A_12 = arith.constant 0 : i32
    %scan3A_13 = arith.constant 40 : i32
    %scan3A_14 = arith.addi %scan3A_12, %scan3A_13 : i32
    %scan3A_15 = arith.constant 1 : i32
    scf.for %scan3A_26 = %scan3A_12 to %scan3A_14 step %scan3A_15  : i32 {
      %mul3A_27 = arith.constant 1 : i32
      %mul3A_28 = arith.muli %scan3A_26, %mul3A_27 : i32
      %add3A_29 = arith.constant 0 : i32
      %add3A_30 = arith.addi %add3A_29, %mul3A_28 : i32
      %mul3A_31 = arith.constant 2 : i32
      %mul3A_32 = arith.muli %mul3A_31, %add3A_30 : i32
      %mul3A_33 = arith.constant 32 : i32
      %mul3A_34 = arith.muli %mul3A_32, %mul3A_33 : i32
      %add3A_35 = arith.addi %add3A, %mul3A_34 : i32
      %mul3A_36 = arith.constant 2 : i32
      %mul3A_37 = arith.muli %mul3A_36, %add3A_30 : i32
      %add3A_38 = arith.constant 1 : i32
      %add3A_39 = arith.addi %mul3A_37, %add3A_38 : i32
      %mul3A_40 = arith.constant 32 : i32
      %mul3A_41 = arith.muli %add3A_39, %mul3A_40 : i32
      %add3A_42 = arith.addi %add3A, %mul3A_41 : i32
      %lt3A = arith.constant 2500 : i32
      %lt3A_43 = arith.cmpi slt, %add3A_35, %lt3A : i32
      %convert_element_type3A = arith.extui %lt3A_43 : i1 to i32
      %cond3A = arith.constant 0 : i32
      %cond3A_44 = arith.cmpi ne, %convert_element_type3A, %cond3A : i32
      scf.if %cond3A_44 {
        %mul3A_60 = arith.constant 128 : i32
        %mul3A_61 = arith.muli %add3A_35, %mul3A_60 : i32
        "tpu.region"() ({
          %run_scoped3A = tpu.sem_alloc : memref<!tpu.dma_semaphore, #tpu.memory_space<semaphore_mem>>
          %dma_start3A_64 = tpu.memref_slice %arg3[%mul3A_61] : memref<320000xi32, #tpu.memory_space<hbm>> -> memref<128xi32, #tpu.memory_space<hbm>>
          %dma_start3A_65 = tpu.memref_slice %arg3[%mul3A_61] : memref<320000xi32, #tpu.memory_space<hbm>> -> memref<128xi32, #tpu.memory_space<hbm>>
          tpu.enqueue_dma source(%dma_start3A_65 : memref<128xi32, #tpu.memory_space<hbm>>) target(%arg9 : memref<128xi32, #tpu.memory_space<vmem>>) target_semaphore(%run_scoped3A : memref<!tpu.dma_semaphore, #tpu.memory_space<semaphore_mem>>)
          %dma_wait3A = tpu.memref_slice %arg3[%mul3A_61] : memref<320000xi32, #tpu.memory_space<hbm>> -> memref<128xi32, #tpu.memory_space<hbm>>
          %dma_wait3A_66 = tpu.memref_slice %arg3[%mul3A_61] : memref<320000xi32, #tpu.memory_space<hbm>> -> memref<128xi32, #tpu.memory_space<hbm>>
          tpu.wait_dma2 semaphore(%run_scoped3A : memref<!tpu.dma_semaphore, #tpu.memory_space<semaphore_mem>>) src(%dma_wait3A_66 : memref<128xi32, #tpu.memory_space<hbm>>) dst(%arg9 : memref<128xi32, #tpu.memory_space<vmem>>)
          tpu.yield
        }) : () -> ()
        %dma_start3A = arith.constant 0 : i32
        %dma_start3A_62 = arith.constant 0 : i32
        %dma_start3A_63 = tpu.memref_slice %arg2[%dma_start3A, %dma_start3A_62] : memref<10000x128xf32, #tpu.memory_space<hbm>> -> memref<10000x128xf32, #tpu.memory_space<hbm>>
        tpu.enqueue_indirect_dma source(%dma_start3A_63 : memref<10000x128xf32, #tpu.memory_space<hbm>>) target(%arg7 : memref<128x128xf32, #tpu.memory_space<vmem>>) offsets(%arg9 : memref<128xi32, #tpu.memory_space<vmem>>) semaphore(%arg13 : memref<!tpu.dma_semaphore, #tpu.memory_space<semaphore_mem>>)
      } else {
      }
      %lt3A_45 = arith.constant 2500 : i32
      %lt3A_46 = arith.cmpi slt, %add3A_42, %lt3A_45 : i32
      %convert_element_type3A_47 = arith.extui %lt3A_46 : i1 to i32
      %cond3A_48 = arith.constant 0 : i32
      %cond3A_49 = arith.cmpi ne, %convert_element_type3A_47, %cond3A_48 : i32
      scf.if %cond3A_49 {
        %mul3A_60 = arith.constant 128 : i32
        %mul3A_61 = arith.muli %add3A_42, %mul3A_60 : i32
        "tpu.region"() ({
          %run_scoped3A = tpu.sem_alloc : memref<!tpu.dma_semaphore, #tpu.memory_space<semaphore_mem>>
          %dma_start3A_64 = tpu.memref_slice %arg3[%mul3A_61] : memref<320000xi32, #tpu.memory_space<hbm>> -> memref<128xi32, #tpu.memory_space<hbm>>
          %dma_start3A_65 = tpu.memref_slice %arg3[%mul3A_61] : memref<320000xi32, #tpu.memory_space<hbm>> -> memref<128xi32, #tpu.memory_space<hbm>>
          tpu.enqueue_dma source(%dma_start3A_65 : memref<128xi32, #tpu.memory_space<hbm>>) target(%arg10 : memref<128xi32, #tpu.memory_space<vmem>>) target_semaphore(%run_scoped3A : memref<!tpu.dma_semaphore, #tpu.memory_space<semaphore_mem>>)
          %dma_wait3A = tpu.memref_slice %arg3[%mul3A_61] : memref<320000xi32, #tpu.memory_space<hbm>> -> memref<128xi32, #tpu.memory_space<hbm>>
          %dma_wait3A_66 = tpu.memref_slice %arg3[%mul3A_61] : memref<320000xi32, #tpu.memory_space<hbm>> -> memref<128xi32, #tpu.memory_space<hbm>>
          tpu.wait_dma2 semaphore(%run_scoped3A : memref<!tpu.dma_semaphore, #tpu.memory_space<semaphore_mem>>) src(%dma_wait3A_66 : memref<128xi32, #tpu.memory_space<hbm>>) dst(%arg10 : memref<128xi32, #tpu.memory_space<vmem>>)
          tpu.yield
        }) : () -> ()
        %dma_start3A = arith.constant 0 : i32
        %dma_start3A_62 = arith.constant 0 : i32
        %dma_start3A_63 = tpu.memref_slice %arg2[%dma_start3A, %dma_start3A_62] : memref<10000x128xf32, #tpu.memory_space<hbm>> -> memref<10000x128xf32, #tpu.memory_space<hbm>>
        tpu.enqueue_indirect_dma source(%dma_start3A_63 : memref<10000x128xf32, #tpu.memory_space<hbm>>) target(%arg8 : memref<128x128xf32, #tpu.memory_space<vmem>>) offsets(%arg10 : memref<128xi32, #tpu.memory_space<vmem>>) semaphore(%arg14 : memref<!tpu.dma_semaphore, #tpu.memory_space<semaphore_mem>>)
      } else {
      }
      %lt3A_50 = arith.constant 2500 : i32
      %lt3A_51 = arith.cmpi slt, %add3A_35, %lt3A_50 : i32
      %convert_element_type3A_52 = arith.extui %lt3A_51 : i1 to i32
      %cond3A_53 = arith.constant 0 : i32
      %cond3A_54 = arith.cmpi ne, %convert_element_type3A_52, %cond3A_53 : i32
      scf.if %cond3A_54 {
        %mul3A_60 = arith.constant 128 : i32
        %mul3A_61 = arith.muli %add3A_35, %mul3A_60 : i32
        "tpu.region"() ({
          %run_scoped3A = tpu.sem_alloc : memref<!tpu.dma_semaphore, #tpu.memory_space<semaphore_mem>>
          %dma_start3A = tpu.memref_slice %arg4[%mul3A_61] : memref<320000xi32, #tpu.memory_space<hbm>> -> memref<128xi32, #tpu.memory_space<hbm>>
          %dma_start3A_64 = tpu.memref_slice %arg4[%mul3A_61] : memref<320000xi32, #tpu.memory_space<hbm>> -> memref<128xi32, #tpu.memory_space<hbm>>
          tpu.enqueue_dma source(%dma_start3A_64 : memref<128xi32, #tpu.memory_space<hbm>>) target(%arg11 : memref<128xi32, #tpu.memory_space<vmem>>) target_semaphore(%run_scoped3A : memref<!tpu.dma_semaphore, #tpu.memory_space<semaphore_mem>>)
          %dma_wait3A_65 = tpu.memref_slice %arg4[%mul3A_61] : memref<320000xi32, #tpu.memory_space<hbm>> -> memref<128xi32, #tpu.memory_space<hbm>>
          %dma_wait3A_66 = tpu.memref_slice %arg4[%mul3A_61] : memref<320000xi32, #tpu.memory_space<hbm>> -> memref<128xi32, #tpu.memory_space<hbm>>
          tpu.wait_dma2 semaphore(%run_scoped3A : memref<!tpu.dma_semaphore, #tpu.memory_space<semaphore_mem>>) src(%dma_wait3A_66 : memref<128xi32, #tpu.memory_space<hbm>>) dst(%arg11 : memref<128xi32, #tpu.memory_space<vmem>>)
          tpu.yield
        }) : () -> ()
        %dma_wait3A = arith.constant 0 : i32
        %dma_wait3A_62 = arith.constant 0 : i32
        %dma_wait3A_63 = tpu.memref_slice %arg2[%dma_wait3A, %dma_wait3A_62] : memref<10000x128xf32, #tpu.memory_space<hbm>> -> memref<10000x128xf32, #tpu.memory_space<hbm>>
        tpu.wait_indirect_dma semaphore(%arg13 : memref<!tpu.dma_semaphore, #tpu.memory_space<semaphore_mem>>) src(%dma_wait3A_63 : memref<10000x128xf32, #tpu.memory_space<hbm>>) dst(%arg7 : memref<128x128xf32, #tpu.memory_space<vmem>>)
        "tpu.region"() ({
          %run_scoped3A = tpu.sem_alloc : memref<!tpu.dma_semaphore, #tpu.memory_space<semaphore_mem>>
          %dma_start3A = arith.constant 0 : i32
          %dma_start3A_64 = arith.constant 0 : i32
          %dma_start3A_65 = tpu.memref_slice %arg6[%dma_start3A, %dma_start3A_64] : memref<10240x128xf32, #tpu.memory_space<vmem_shared>> -> memref<10240x128xf32, #tpu.memory_space<vmem_shared>>
          tpu.enqueue_indirect_dma source(%arg7 : memref<128x128xf32, #tpu.memory_space<vmem>>) target(%dma_start3A_65 : memref<10240x128xf32, #tpu.memory_space<vmem_shared>>) offsets(%arg11 : memref<128xi32, #tpu.memory_space<vmem>>) semaphore(%run_scoped3A : memref<!tpu.dma_semaphore, #tpu.memory_space<semaphore_mem>>) {add = true}
          %dma_wait3A_66 = arith.constant 0 : i32
          %dma_wait3A_67 = arith.constant 0 : i32
          %dma_wait3A_68 = tpu.memref_slice %arg6[%dma_wait3A_66, %dma_wait3A_67] : memref<10240x128xf32, #tpu.memory_space<vmem_shared>> -> memref<10240x128xf32, #tpu.memory_space<vmem_shared>>
          tpu.wait_indirect_dma semaphore(%run_scoped3A : memref<!tpu.dma_semaphore, #tpu.memory_space<semaphore_mem>>) src(%arg7 : memref<128x128xf32, #tpu.memory_space<vmem>>) dst(%dma_wait3A_68 : memref<10240x128xf32, #tpu.memory_space<vmem_shared>>)
          tpu.yield
        }) : () -> ()
      } else {
      }
      %lt3A_55 = arith.constant 2500 : i32
      %lt3A_56 = arith.cmpi slt, %add3A_42, %lt3A_55 : i32
      %convert_element_type3A_57 = arith.extui %lt3A_56 : i1 to i32
      %cond3A_58 = arith.constant 0 : i32
      %cond3A_59 = arith.cmpi ne, %convert_element_type3A_57, %cond3A_58 : i32
      scf.if %cond3A_59 {
        %mul3A_60 = arith.constant 128 : i32
        %mul3A_61 = arith.muli %add3A_42, %mul3A_60 : i32
        "tpu.region"() ({
          %run_scoped3A = tpu.sem_alloc : memref<!tpu.dma_semaphore, #tpu.memory_space<semaphore_mem>>
          %dma_start3A = tpu.memref_slice %arg4[%mul3A_61] : memref<320000xi32, #tpu.memory_space<hbm>> -> memref<128xi32, #tpu.memory_space<hbm>>
          %dma_start3A_64 = tpu.memref_slice %arg4[%mul3A_61] : memref<320000xi32, #tpu.memory_space<hbm>> -> memref<128xi32, #tpu.memory_space<hbm>>
          tpu.enqueue_dma source(%dma_start3A_64 : memref<128xi32, #tpu.memory_space<hbm>>) target(%arg12 : memref<128xi32, #tpu.memory_space<vmem>>) target_semaphore(%run_scoped3A : memref<!tpu.dma_semaphore, #tpu.memory_space<semaphore_mem>>)
          %dma_wait3A_65 = tpu.memref_slice %arg4[%mul3A_61] : memref<320000xi32, #tpu.memory_space<hbm>> -> memref<128xi32, #tpu.memory_space<hbm>>
          %dma_wait3A_66 = tpu.memref_slice %arg4[%mul3A_61] : memref<320000xi32, #tpu.memory_space<hbm>> -> memref<128xi32, #tpu.memory_space<hbm>>
          tpu.wait_dma2 semaphore(%run_scoped3A : memref<!tpu.dma_semaphore, #tpu.memory_space<semaphore_mem>>) src(%dma_wait3A_66 : memref<128xi32, #tpu.memory_space<hbm>>) dst(%arg12 : memref<128xi32, #tpu.memory_space<vmem>>)
          tpu.yield
        }) : () -> ()
        %dma_wait3A = arith.constant 0 : i32
        %dma_wait3A_62 = arith.constant 0 : i32
        %dma_wait3A_63 = tpu.memref_slice %arg2[%dma_wait3A, %dma_wait3A_62] : memref<10000x128xf32, #tpu.memory_space<hbm>> -> memref<10000x128xf32, #tpu.memory_space<hbm>>
        tpu.wait_indirect_dma semaphore(%arg14 : memref<!tpu.dma_semaphore, #tpu.memory_space<semaphore_mem>>) src(%dma_wait3A_63 : memref<10000x128xf32, #tpu.memory_space<hbm>>) dst(%arg8 : memref<128x128xf32, #tpu.memory_space<vmem>>)
        "tpu.region"() ({
          %run_scoped3A = tpu.sem_alloc : memref<!tpu.dma_semaphore, #tpu.memory_space<semaphore_mem>>
          %dma_start3A = arith.constant 0 : i32
          %dma_start3A_64 = arith.constant 0 : i32
          %dma_start3A_65 = tpu.memref_slice %arg6[%dma_start3A, %dma_start3A_64] : memref<10240x128xf32, #tpu.memory_space<vmem_shared>> -> memref<10240x128xf32, #tpu.memory_space<vmem_shared>>
          tpu.enqueue_indirect_dma source(%arg8 : memref<128x128xf32, #tpu.memory_space<vmem>>) target(%dma_start3A_65 : memref<10240x128xf32, #tpu.memory_space<vmem_shared>>) offsets(%arg12 : memref<128xi32, #tpu.memory_space<vmem>>) semaphore(%run_scoped3A : memref<!tpu.dma_semaphore, #tpu.memory_space<semaphore_mem>>) {add = true}
          %dma_wait3A_66 = arith.constant 0 : i32
          %dma_wait3A_67 = arith.constant 0 : i32
          %dma_wait3A_68 = tpu.memref_slice %arg6[%dma_wait3A_66, %dma_wait3A_67] : memref<10240x128xf32, #tpu.memory_space<vmem_shared>> -> memref<10240x128xf32, #tpu.memory_space<vmem_shared>>
          tpu.wait_indirect_dma semaphore(%run_scoped3A : memref<!tpu.dma_semaphore, #tpu.memory_space<semaphore_mem>>) src(%arg8 : memref<128x128xf32, #tpu.memory_space<vmem>>) dst(%dma_wait3A_68 : memref<10240x128xf32, #tpu.memory_space<vmem_shared>>)
          tpu.yield
        }) : () -> ()
      } else {
      }
    }
    %scan3A_16 = arith.constant 40 : i32
    %barrier3A_17 = arith.constant 0 : index
    tpu.barrier barrier_id(%barrier3A_17)
    %mul3A_18 = arith.constant 10240 : i32
    %mul3A_19 = arith.muli %arg0, %mul3A_18 : i32
    %add3A_20 = arith.addi %mul3A_19, %mul3A_2 : i32
    %scan3A_21 = arith.constant 0 : i32
    %scan3A_22 = arith.constant 5 : i32
    %scan3A_23 = arith.addi %scan3A_21, %scan3A_22 : i32
    %scan3A_24 = arith.constant 1 : i32
    scf.for %scan3A_26 = %scan3A_21 to %scan3A_23 step %scan3A_24  : i32 {
      %mul3A_27 = arith.constant 1 : i32
      %mul3A_28 = arith.muli %scan3A_26, %mul3A_27 : i32
      %add3A_29 = arith.constant 0 : i32
      %add3A_30 = arith.addi %add3A_29, %mul3A_28 : i32
      %mul3A_31 = arith.constant 128 : i32
      %mul3A_32 = arith.muli %add3A_30, %mul3A_31 : i32
      %add3A_33 = arith.addi %mul3A_2, %mul3A_32 : i32
      %mul3A_34 = arith.constant 128 : i32
      %mul3A_35 = arith.muli %add3A_30, %mul3A_34 : i32
      %add3A_36 = arith.addi %add3A_20, %mul3A_35 : i32
      "tpu.region"() ({
        %run_scoped3A = tpu.sem_alloc : memref<!tpu.dma_semaphore, #tpu.memory_space<semaphore_mem>>
        %dma_start3A = arith.constant 0 : i32
        %dma_start3A_37 = tpu.memref_slice %arg5[%add3A_36, %dma_start3A] : memref<20480x128xf32, #tpu.memory_space<hbm>> -> memref<128x128xf32, #tpu.memory_space<hbm>>
        %dma_start3A_38 = arith.constant 0 : i32
        %dma_start3A_39 = tpu.memref_slice %arg6[%add3A_33, %dma_start3A_38] : memref<10240x128xf32, #tpu.memory_space<vmem_shared>> -> memref<128x128xf32, #tpu.memory_space<vmem_shared>>
        tpu.enqueue_dma source(%dma_start3A_39 : memref<128x128xf32, #tpu.memory_space<vmem_shared>>) target(%dma_start3A_37 : memref<128x128xf32, #tpu.memory_space<hbm>>) target_semaphore(%run_scoped3A : memref<!tpu.dma_semaphore, #tpu.memory_space<semaphore_mem>>)
        %dma_wait3A = arith.constant 0 : i32
        %dma_wait3A_40 = tpu.memref_slice %arg5[%add3A_36, %dma_wait3A] : memref<20480x128xf32, #tpu.memory_space<hbm>> -> memref<128x128xf32, #tpu.memory_space<hbm>>
        %dma_wait3A_41 = arith.constant 0 : i32
        %dma_wait3A_42 = tpu.memref_slice %arg6[%add3A_33, %dma_wait3A_41] : memref<10240x128xf32, #tpu.memory_space<vmem_shared>> -> memref<128x128xf32, #tpu.memory_space<vmem_shared>>
        tpu.wait_dma2 semaphore(%run_scoped3A : memref<!tpu.dma_semaphore, #tpu.memory_space<semaphore_mem>>) src(%dma_wait3A_42 : memref<128x128xf32, #tpu.memory_space<vmem_shared>>) dst(%dma_wait3A_40 : memref<128x128xf32, #tpu.memory_space<hbm>>)
        tpu.yield
      }) : () -> ()
    }
    %scan3A_25 = arith.constant 5 : i32
    return
  }
}

module attributes {stable_mosaic.version = 14 : i64} {
  func.func @_mm_body(%arg0: i32, %arg1: memref<1000x128xf32, #tpu.memory_space<vmem>>, %arg2: memref<1000x128xf32, #tpu.memory_space<vmem>>, %arg3: memref<1000x16xf32, #tpu.memory_space<vmem>>, %arg4: memref<1000x16xf32, #tpu.memory_space<vmem>>, %arg5: memref<1000x128xf32, #tpu.memory_space<vmem>>, %arg6: memref<128x128xf32, #tpu.memory_space<vmem>>, %arg7: memref<1x128xf32, #tpu.memory_space<vmem>>, %arg8: memref<128x128xf32, #tpu.memory_space<vmem>>, %arg9: memref<1000x128xf32, #tpu.memory_space<vmem>>, %arg10: memref<1x128xf32, #tpu.memory_space<vmem>>) attributes {dimension_semantics = [#tpu.dimension_semantics<arbitrary>], iteration_bounds = array<i64: 10>, scalar_prefetch = 0 : i64, scratch_operands = 0 : i64, tpu.core_type = #tpu.core_type<tc>, window_params = [{transform_indices = @transform_0, window_bounds = array<i64: 1000, 128>}, {transform_indices = @transform_1, window_bounds = array<i64: 1000, 128>}, {transform_indices = @transform_2, window_bounds = array<i64: 1000, 16>}, {transform_indices = @transform_3, window_bounds = array<i64: 1000, 16>}, {transform_indices = @transform_4, window_bounds = array<i64: 1000, 128>}, {pipeline_mode = #tpu.pipeline_mode<synchronous>, transform_indices = @transform_5, window_bounds = array<i64: 128, 128>}, {pipeline_mode = #tpu.pipeline_mode<synchronous>, transform_indices = @transform_6, window_bounds = array<i64: 1, 128>}, {pipeline_mode = #tpu.pipeline_mode<synchronous>, transform_indices = @transform_7, window_bounds = array<i64: 128, 128>}, {transform_indices = @transform_8, window_bounds = array<i64: 1000, 128>}, {pipeline_mode = #tpu.pipeline_mode<synchronous>, transform_indices = @transform_9, window_bounds = array<i64: 1, 128>}]} {
    %get3A = arith.constant 0 : index
    %get3A_0 = arith.constant 0 : index
    %get3A_1 = vector.load %arg3[%get3A, %get3A_0] : memref<1000x16xf32, #tpu.memory_space<vmem>>, vector<1000x1xf32>
    %get3A_2 = arith.constant 0 : index
    %get3A_3 = arith.constant 0 : index
    %get3A_4 = vector.load %arg4[%get3A_2, %get3A_3] : memref<1000x16xf32, #tpu.memory_space<vmem>>, vector<1000x1xf32>
    %add3A = arith.addf %get3A_1, %get3A_4 : vector<1000x1xf32>
    %get3A_5 = arith.constant 0 : index
    %get3A_6 = arith.constant 0 : index
    %get3A_7 = vector.load %arg1[%get3A_5, %get3A_6] : memref<1000x128xf32, #tpu.memory_space<vmem>>, vector<1000x128xf32>
    %get3A_8 = arith.constant 0 : index
    %get3A_9 = arith.constant 0 : index
    %get3A_10 = vector.load %arg2[%get3A_8, %get3A_9] : memref<1000x128xf32, #tpu.memory_space<vmem>>, vector<1000x128xf32>
    %add3A_11 = arith.addf %get3A_7, %get3A_10 : vector<1000x128xf32>
    %max3A = arith.constant 1.000000e+00 : f32
    %max3A_12 = vector.broadcast %max3A : f32 to vector<1000x1xf32>
    %max3A_13 = arith.maximumf %add3A, %max3A_12 : vector<1000x1xf32>
    %div3A = vector.broadcast %max3A_13 : vector<1000x1xf32> to vector<1000x128xf32>
    %div3A_14 = arith.divf %add3A_11, %div3A : vector<1000x128xf32>
    %get3A_15 = arith.constant 0 : index
    %get3A_16 = arith.constant 0 : index
    %get3A_17 = vector.load %arg6[%get3A_15, %get3A_16] : memref<128x128xf32, #tpu.memory_space<vmem>>, vector<128x128xf32>
    %convert_element_type3A = arith.truncf %div3A_14 : vector<1000x128xf32> to vector<1000x128xbf16>
    %convert_element_type3A_18 = arith.truncf %get3A_17 : vector<128x128xf32> to vector<128x128xbf16>
    %dot_general3A = arith.constant dense<0.000000e+00> : vector<1000x128xf32>
    %dot_general3A_19 = tpu.matmul %convert_element_type3A, %convert_element_type3A_18, %dot_general3A {dimension_numbers = #tpu.dot_dimension_numbers<[1], [0], [0], [1], [0, 0, 1, 1], [], []>, transpose_lhs_hint = false} : vector<1000x128xbf16>, vector<128x128xbf16>, vector<1000x128xf32> -> vector<1000x128xf32>
    %get3A_20 = arith.constant 0 : index
    %get3A_21 = arith.constant 0 : index
    %get3A_22 = vector.load %arg7[%get3A_20, %get3A_21] : memref<1x128xf32, #tpu.memory_space<vmem>>, vector<1x128xf32>
    %add3A_23 = vector.broadcast %get3A_22 : vector<1x128xf32> to vector<1000x128xf32>
    %add3A_24 = arith.addf %dot_general3A_19, %add3A_23 : vector<1000x128xf32>
    %get3A_25 = arith.constant 0 : index
    %get3A_26 = arith.constant 0 : index
    %get3A_27 = vector.load %arg5[%get3A_25, %get3A_26] : memref<1000x128xf32, #tpu.memory_space<vmem>>, vector<1000x128xf32>
    %get3A_28 = arith.constant 0 : index
    %get3A_29 = arith.constant 0 : index
    %get3A_30 = vector.load %arg8[%get3A_28, %get3A_29] : memref<128x128xf32, #tpu.memory_space<vmem>>, vector<128x128xf32>
    %convert_element_type3A_31 = arith.truncf %get3A_27 : vector<1000x128xf32> to vector<1000x128xbf16>
    %convert_element_type3A_32 = arith.truncf %get3A_30 : vector<128x128xf32> to vector<128x128xbf16>
    %dot_general3A_33 = arith.constant dense<0.000000e+00> : vector<1000x128xf32>
    %dot_general3A_34 = tpu.matmul %convert_element_type3A_31, %convert_element_type3A_32, %dot_general3A_33 {dimension_numbers = #tpu.dot_dimension_numbers<[1], [0], [0], [1], [0, 0, 1, 1], [], []>, transpose_lhs_hint = false} : vector<1000x128xbf16>, vector<128x128xbf16>, vector<1000x128xf32> -> vector<1000x128xf32>
    %add3A_35 = arith.addf %add3A_24, %dot_general3A_34 : vector<1000x128xf32>
    %swap3A = arith.constant 0 : index
    %swap3A_36 = arith.constant 0 : index
    %swap3A_37 = vector.load %arg9[%swap3A, %swap3A_36] : memref<1000x128xf32, #tpu.memory_space<vmem>>, vector<1000x128xf32>
    tpu.vector_store %arg9[%swap3A, %swap3A_36], %add3A_35 {strides = array<i32>} : memref<1000x128xf32, #tpu.memory_space<vmem>>, vector<1000x128xf32>,
    %eq3A = arith.constant 0 : i32
    %eq3A_38 = arith.cmpi eq, %arg0, %eq3A : i32
    %convert_element_type3A_39 = arith.extui %eq3A_38 : i1 to i32
    %cond3A = arith.constant 0 : i32
    %cond3A_40 = arith.cmpi ne, %convert_element_type3A_39, %cond3A : i32
    scf.if %cond3A_40 {
      %broadcast_in_dim3A_49 = arith.constant 0.000000e+00 : f32
      %broadcast_in_dim3A_50 = vector.broadcast %broadcast_in_dim3A_49 : f32 to vector<1x128xf32>
      %swap3A_51 = arith.constant 0 : index
      %swap3A_52 = arith.constant 0 : index
      %swap3A_53 = vector.load %arg10[%swap3A_51, %swap3A_52] : memref<1x128xf32, #tpu.memory_space<vmem>>, vector<1x128xf32>
      tpu.vector_store %arg10[%swap3A_51, %swap3A_52], %broadcast_in_dim3A_50 {strides = array<i32>} : memref<1x128xf32, #tpu.memory_space<vmem>>, vector<1x128xf32>,
    } else {
    }
    %get3A_41 = arith.constant 0 : index
    %get3A_42 = arith.constant 0 : index
    %get3A_43 = vector.load %arg10[%get3A_41, %get3A_42] : memref<1x128xf32, #tpu.memory_space<vmem>>, vector<1x128xf32>
    %reduce_sum3A = arith.constant dense<0.000000e+00> : vector<128xf32>
    %reduce_sum3A_44 = vector.multi_reduction <add>, %add3A_35, %reduce_sum3A [0] : vector<1000x128xf32> to vector<128xf32>
    %broadcast_in_dim3A = vector.shape_cast %reduce_sum3A_44 : vector<128xf32> to vector<1x128xf32>
    %add3A_45 = arith.addf %get3A_43, %broadcast_in_dim3A : vector<1x128xf32>
    %swap3A_46 = arith.constant 0 : index
    %swap3A_47 = arith.constant 0 : index
    %swap3A_48 = vector.load %arg10[%swap3A_46, %swap3A_47] : memref<1x128xf32, #tpu.memory_space<vmem>>, vector<1x128xf32>
    tpu.vector_store %arg10[%swap3A_46, %swap3A_47], %add3A_45 {strides = array<i32>} : memref<1x128xf32, #tpu.memory_space<vmem>>, vector<1x128xf32>,
    return
  }
  func.func @transform_0(%arg0: i32) -> (i32, i32) {
    %c0_i32 = arith.constant 0 : i32
    %c0_i32_0 = arith.constant 0 : i32
    return %arg0, %c0_i32 : i32, i32
  }
  func.func @transform_1(%arg0: i32) -> (i32, i32) {
    %c0_i32 = arith.constant 0 : i32
    %c0_i32_0 = arith.constant 0 : i32
    return %arg0, %c0_i32 : i32, i32
  }
  func.func @transform_2(%arg0: i32) -> (i32, i32) {
    %c0_i32 = arith.constant 0 : i32
    %c0_i32_0 = arith.constant 0 : i32
    return %arg0, %c0_i32 : i32, i32
  }
  func.func @transform_3(%arg0: i32) -> (i32, i32) {
    %c0_i32 = arith.constant 0 : i32
    %c0_i32_0 = arith.constant 0 : i32
    return %arg0, %c0_i32 : i32, i32
  }
  func.func @transform_4(%arg0: i32) -> (i32, i32) {
    %c0_i32 = arith.constant 0 : i32
    %c0_i32_0 = arith.constant 0 : i32
    return %arg0, %c0_i32 : i32, i32
  }
  func.func @transform_5(%arg0: i32) -> (i32, i32) {
    %c0_i32 = arith.constant 0 : i32
    %c0_i32_0 = arith.constant 0 : i32
    %c0_i32_1 = arith.constant 0 : i32
    return %c0_i32, %c0_i32_0 : i32, i32
  }
  func.func @transform_6(%arg0: i32) -> (i32, i32) {
    %c0_i32 = arith.constant 0 : i32
    %c0_i32_0 = arith.constant 0 : i32
    %c0_i32_1 = arith.constant 0 : i32
    return %c0_i32, %c0_i32_0 : i32, i32
  }
  func.func @transform_7(%arg0: i32) -> (i32, i32) {
    %c0_i32 = arith.constant 0 : i32
    %c0_i32_0 = arith.constant 0 : i32
    %c0_i32_1 = arith.constant 0 : i32
    return %c0_i32, %c0_i32_0 : i32, i32
  }
  func.func @transform_8(%arg0: i32) -> (i32, i32) {
    %c0_i32 = arith.constant 0 : i32
    %c0_i32_0 = arith.constant 0 : i32
    return %arg0, %c0_i32 : i32, i32
  }
  func.func @transform_9(%arg0: i32) -> (i32, i32) {
    %c0_i32 = arith.constant 0 : i32
    %c0_i32_0 = arith.constant 0 : i32
    %c0_i32_1 = arith.constant 0 : i32
    return %c0_i32, %c0_i32_0 : i32, i32
  }
}

module attributes {stable_mosaic.version = 14 : i64} {
  func.func @_var_body(%arg0: i32, %arg1: memref<1000x128xf32, #tpu.memory_space<vmem>>, %arg2: memref<1x128xf32, #tpu.memory_space<vmem>>, %arg3: memref<1x128xf32, #tpu.memory_space<vmem>>) attributes {dimension_semantics = [#tpu.dimension_semantics<arbitrary>], iteration_bounds = array<i64: 10>, scalar_prefetch = 0 : i64, scratch_operands = 0 : i64, tpu.core_type = #tpu.core_type<tc>, window_params = [{transform_indices = @transform_0, window_bounds = array<i64: 1000, 128>}, {pipeline_mode = #tpu.pipeline_mode<synchronous>, transform_indices = @transform_1, window_bounds = array<i64: 1, 128>}, {pipeline_mode = #tpu.pipeline_mode<synchronous>, transform_indices = @transform_2, window_bounds = array<i64: 1, 128>}]} {
    %get3A = arith.constant 0 : index
    %get3A_0 = arith.constant 0 : index
    %get3A_1 = vector.load %arg2[%get3A, %get3A_0] : memref<1x128xf32, #tpu.memory_space<vmem>>, vector<1x128xf32>
    %mul3A = arith.constant 9.99999974E-5 : f32
    %mul3A_2 = vector.broadcast %mul3A : f32 to vector<1x128xf32>
    %mul3A_3 = arith.mulf %get3A_1, %mul3A_2 : vector<1x128xf32>
    %get3A_4 = arith.constant 0 : index
    %get3A_5 = arith.constant 0 : index
    %get3A_6 = vector.load %arg1[%get3A_4, %get3A_5] : memref<1000x128xf32, #tpu.memory_space<vmem>>, vector<1000x128xf32>
    %sub3A = vector.broadcast %mul3A_3 : vector<1x128xf32> to vector<1000x128xf32>
    %sub3A_7 = arith.subf %get3A_6, %sub3A : vector<1000x128xf32>
    %eq3A = arith.constant 0 : i32
    %eq3A_8 = arith.cmpi eq, %arg0, %eq3A : i32
    %convert_element_type3A = arith.extui %eq3A_8 : i1 to i32
    %cond3A = arith.constant 0 : i32
    %cond3A_9 = arith.cmpi ne, %convert_element_type3A, %cond3A : i32
    scf.if %cond3A_9 {
      %broadcast_in_dim3A_17 = arith.constant 0.000000e+00 : f32
      %broadcast_in_dim3A_18 = vector.broadcast %broadcast_in_dim3A_17 : f32 to vector<1x128xf32>
      %swap3A_19 = arith.constant 0 : index
      %swap3A_20 = arith.constant 0 : index
      %swap3A_21 = vector.load %arg3[%swap3A_19, %swap3A_20] : memref<1x128xf32, #tpu.memory_space<vmem>>, vector<1x128xf32>
      tpu.vector_store %arg3[%swap3A_19, %swap3A_20], %broadcast_in_dim3A_18 {strides = array<i32>} : memref<1x128xf32, #tpu.memory_space<vmem>>, vector<1x128xf32>,
    } else {
    }
    %get3A_10 = arith.constant 0 : index
    %get3A_11 = arith.constant 0 : index
    %get3A_12 = vector.load %arg3[%get3A_10, %get3A_11] : memref<1x128xf32, #tpu.memory_space<vmem>>, vector<1x128xf32>
    %mul3A_13 = arith.mulf %sub3A_7, %sub3A_7 : vector<1000x128xf32>
    %reduce_sum3A = arith.constant dense<0.000000e+00> : vector<128xf32>
    %reduce_sum3A_14 = vector.multi_reduction <add>, %mul3A_13, %reduce_sum3A [0] : vector<1000x128xf32> to vector<128xf32>
    %broadcast_in_dim3A = vector.shape_cast %reduce_sum3A_14 : vector<128xf32> to vector<1x128xf32>
    %add3A = arith.addf %get3A_12, %broadcast_in_dim3A : vector<1x128xf32>
    %swap3A = arith.constant 0 : index
    %swap3A_15 = arith.constant 0 : index
    %swap3A_16 = vector.load %arg3[%swap3A, %swap3A_15] : memref<1x128xf32, #tpu.memory_space<vmem>>, vector<1x128xf32>
    tpu.vector_store %arg3[%swap3A, %swap3A_15], %add3A {strides = array<i32>} : memref<1x128xf32, #tpu.memory_space<vmem>>, vector<1x128xf32>,
    return
  }
  func.func @transform_0(%arg0: i32) -> (i32, i32) {
    %c0_i32 = arith.constant 0 : i32
    %c0_i32_0 = arith.constant 0 : i32
    return %arg0, %c0_i32 : i32, i32
  }
  func.func @transform_1(%arg0: i32) -> (i32, i32) {
    %c0_i32 = arith.constant 0 : i32
    %c0_i32_0 = arith.constant 0 : i32
    %c0_i32_1 = arith.constant 0 : i32
    return %c0_i32, %c0_i32_0 : i32, i32
  }
  func.func @transform_2(%arg0: i32) -> (i32, i32) {
    %c0_i32 = arith.constant 0 : i32
    %c0_i32_0 = arith.constant 0 : i32
    %c0_i32_1 = arith.constant 0 : i32
    return %c0_i32, %c0_i32_0 : i32, i32
  }
}

module attributes {stable_mosaic.version = 14 : i64} {
  func.func @_norm_body(%arg0: i32, %arg1: memref<1000x128xf32, #tpu.memory_space<vmem>>, %arg2: memref<1x128xf32, #tpu.memory_space<vmem>>, %arg3: memref<1x128xf32, #tpu.memory_space<vmem>>, %arg4: memref<1x128xf32, #tpu.memory_space<vmem>>, %arg5: memref<1x128xf32, #tpu.memory_space<vmem>>, %arg6: memref<1000x128xf32, #tpu.memory_space<vmem>>) attributes {dimension_semantics = [#tpu.dimension_semantics<arbitrary>], iteration_bounds = array<i64: 10>, scalar_prefetch = 0 : i64, scratch_operands = 0 : i64, tpu.core_type = #tpu.core_type<tc>, window_params = [{transform_indices = @transform_0, window_bounds = array<i64: 1000, 128>}, {pipeline_mode = #tpu.pipeline_mode<synchronous>, transform_indices = @transform_1, window_bounds = array<i64: 1, 128>}, {pipeline_mode = #tpu.pipeline_mode<synchronous>, transform_indices = @transform_2, window_bounds = array<i64: 1, 128>}, {pipeline_mode = #tpu.pipeline_mode<synchronous>, transform_indices = @transform_3, window_bounds = array<i64: 1, 128>}, {pipeline_mode = #tpu.pipeline_mode<synchronous>, transform_indices = @transform_4, window_bounds = array<i64: 1, 128>}, {transform_indices = @transform_5, window_bounds = array<i64: 1000, 128>}]} {
    %get3A = arith.constant 0 : index
    %get3A_0 = arith.constant 0 : index
    %get3A_1 = vector.load %arg2[%get3A, %get3A_0] : memref<1x128xf32, #tpu.memory_space<vmem>>, vector<1x128xf32>
    %mul3A = arith.constant 9.99999974E-5 : f32
    %mul3A_2 = vector.broadcast %mul3A : f32 to vector<1x128xf32>
    %mul3A_3 = arith.mulf %get3A_1, %mul3A_2 : vector<1x128xf32>
    %get3A_4 = arith.constant 0 : index
    %get3A_5 = arith.constant 0 : index
    %get3A_6 = vector.load %arg3[%get3A_4, %get3A_5] : memref<1x128xf32, #tpu.memory_space<vmem>>, vector<1x128xf32>
    %mul3A_7 = arith.constant 9.99999974E-5 : f32
    %mul3A_8 = vector.broadcast %mul3A_7 : f32 to vector<1x128xf32>
    %mul3A_9 = arith.mulf %get3A_6, %mul3A_8 : vector<1x128xf32>
    %get3A_10 = arith.constant 0 : index
    %get3A_11 = arith.constant 0 : index
    %get3A_12 = vector.load %arg1[%get3A_10, %get3A_11] : memref<1000x128xf32, #tpu.memory_space<vmem>>, vector<1000x128xf32>
    %sub3A = vector.broadcast %mul3A_3 : vector<1x128xf32> to vector<1000x128xf32>
    %sub3A_13 = arith.subf %get3A_12, %sub3A : vector<1000x128xf32>
    %add3A = arith.constant 9.99999974E-6 : f32
    %add3A_14 = vector.broadcast %add3A : f32 to vector<1x128xf32>
    %add3A_15 = arith.addf %mul3A_9, %add3A_14 : vector<1x128xf32>
    %sqrt3A = math.sqrt %add3A_15 : vector<1x128xf32>
    %div3A = vector.broadcast %sqrt3A : vector<1x128xf32> to vector<1000x128xf32>
    %div3A_16 = arith.divf %sub3A_13, %div3A : vector<1000x128xf32>
    %get3A_17 = arith.constant 0 : index
    %get3A_18 = arith.constant 0 : index
    %get3A_19 = vector.load %arg4[%get3A_17, %get3A_18] : memref<1x128xf32, #tpu.memory_space<vmem>>, vector<1x128xf32>
    %mul3A_20 = vector.broadcast %get3A_19 : vector<1x128xf32> to vector<1000x128xf32>
    %mul3A_21 = arith.mulf %div3A_16, %mul3A_20 : vector<1000x128xf32>
    %get3A_22 = arith.constant 0 : index
    %get3A_23 = arith.constant 0 : index
    %get3A_24 = vector.load %arg5[%get3A_22, %get3A_23] : memref<1x128xf32, #tpu.memory_space<vmem>>, vector<1x128xf32>
    %add3A_25 = vector.broadcast %get3A_24 : vector<1x128xf32> to vector<1000x128xf32>
    %add3A_26 = arith.addf %mul3A_21, %add3A_25 : vector<1000x128xf32>
    %max3A = arith.constant 0.000000e+00 : f32
    %max3A_27 = vector.broadcast %max3A : f32 to vector<1000x128xf32>
    %max3A_28 = arith.maximumf %add3A_26, %max3A_27 : vector<1000x128xf32>
    %swap3A = arith.constant 0 : index
    %swap3A_29 = arith.constant 0 : index
    %swap3A_30 = vector.load %arg6[%swap3A, %swap3A_29] : memref<1000x128xf32, #tpu.memory_space<vmem>>, vector<1000x128xf32>
    tpu.vector_store %arg6[%swap3A, %swap3A_29], %max3A_28 {strides = array<i32>} : memref<1000x128xf32, #tpu.memory_space<vmem>>, vector<1000x128xf32>,
    return
  }
  func.func @transform_0(%arg0: i32) -> (i32, i32) {
    %c0_i32 = arith.constant 0 : i32
    %c0_i32_0 = arith.constant 0 : i32
    return %arg0, %c0_i32 : i32, i32
  }
  func.func @transform_1(%arg0: i32) -> (i32, i32) {
    %c0_i32 = arith.constant 0 : i32
    %c0_i32_0 = arith.constant 0 : i32
    %c0_i32_1 = arith.constant 0 : i32
    return %c0_i32, %c0_i32_0 : i32, i32
  }
  func.func @transform_2(%arg0: i32) -> (i32, i32) {
    %c0_i32 = arith.constant 0 : i32
    %c0_i32_0 = arith.constant 0 : i32
    %c0_i32_1 = arith.constant 0 : i32
    return %c0_i32, %c0_i32_0 : i32, i32
  }
  func.func @transform_3(%arg0: i32) -> (i32, i32) {
    %c0_i32 = arith.constant 0 : i32
    %c0_i32_0 = arith.constant 0 : i32
    %c0_i32_1 = arith.constant 0 : i32
    return %c0_i32, %c0_i32_0 : i32, i32
  }
  func.func @transform_4(%arg0: i32) -> (i32, i32) {
    %c0_i32 = arith.constant 0 : i32
    %c0_i32_0 = arith.constant 0 : i32
    %c0_i32_1 = arith.constant 0 : i32
    return %c0_i32, %c0_i32_0 : i32, i32
  }
  func.func @transform_5(%arg0: i32) -> (i32, i32) {
    %c0_i32 = arith.constant 0 : i32
    %c0_i32_0 = arith.constant 0 : i32
    return %arg0, %c0_i32 : i32, i32
  }
}

module attributes {stable_mosaic.version = 14 : i64} {
  func.func @_norm_body(%arg0: i32, %arg1: memref<1000x128xf32, #tpu.memory_space<vmem>>, %arg2: memref<1x128xf32, #tpu.memory_space<vmem>>, %arg3: memref<1x128xf32, #tpu.memory_space<vmem>>, %arg4: memref<1x128xf32, #tpu.memory_space<vmem>>, %arg5: memref<1x128xf32, #tpu.memory_space<vmem>>, %arg6: memref<1000x128xf32, #tpu.memory_space<vmem>>) attributes {dimension_semantics = [#tpu.dimension_semantics<arbitrary>], iteration_bounds = array<i64: 10>, scalar_prefetch = 0 : i64, scratch_operands = 0 : i64, tpu.core_type = #tpu.core_type<tc>, window_params = [{transform_indices = @transform_0, window_bounds = array<i64: 1000, 128>}, {pipeline_mode = #tpu.pipeline_mode<synchronous>, transform_indices = @transform_1, window_bounds = array<i64: 1, 128>}, {pipeline_mode = #tpu.pipeline_mode<synchronous>, transform_indices = @transform_2, window_bounds = array<i64: 1, 128>}, {pipeline_mode = #tpu.pipeline_mode<synchronous>, transform_indices = @transform_3, window_bounds = array<i64: 1, 128>}, {pipeline_mode = #tpu.pipeline_mode<synchronous>, transform_indices = @transform_4, window_bounds = array<i64: 1, 128>}, {transform_indices = @transform_5, window_bounds = array<i64: 1000, 128>}]} {
    %get3A = arith.constant 0 : index
    %get3A_0 = arith.constant 0 : index
    %get3A_1 = vector.load %arg2[%get3A, %get3A_0] : memref<1x128xf32, #tpu.memory_space<vmem>>, vector<1x128xf32>
    %mul3A = arith.constant 9.99999974E-5 : f32
    %mul3A_2 = vector.broadcast %mul3A : f32 to vector<1x128xf32>
    %mul3A_3 = arith.mulf %get3A_1, %mul3A_2 : vector<1x128xf32>
    %get3A_4 = arith.constant 0 : index
    %get3A_5 = arith.constant 0 : index
    %get3A_6 = vector.load %arg3[%get3A_4, %get3A_5] : memref<1x128xf32, #tpu.memory_space<vmem>>, vector<1x128xf32>
    %mul3A_7 = arith.constant 9.99999974E-5 : f32
    %mul3A_8 = vector.broadcast %mul3A_7 : f32 to vector<1x128xf32>
    %mul3A_9 = arith.mulf %get3A_6, %mul3A_8 : vector<1x128xf32>
    %get3A_10 = arith.constant 0 : index
    %get3A_11 = arith.constant 0 : index
    %get3A_12 = vector.load %arg1[%get3A_10, %get3A_11] : memref<1000x128xf32, #tpu.memory_space<vmem>>, vector<1000x128xf32>
    %sub3A = vector.broadcast %mul3A_3 : vector<1x128xf32> to vector<1000x128xf32>
    %sub3A_13 = arith.subf %get3A_12, %sub3A : vector<1000x128xf32>
    %add3A = arith.constant 9.99999974E-6 : f32
    %add3A_14 = vector.broadcast %add3A : f32 to vector<1x128xf32>
    %add3A_15 = arith.addf %mul3A_9, %add3A_14 : vector<1x128xf32>
    %sqrt3A = math.sqrt %add3A_15 : vector<1x128xf32>
    %div3A = vector.broadcast %sqrt3A : vector<1x128xf32> to vector<1000x128xf32>
    %div3A_16 = arith.divf %sub3A_13, %div3A : vector<1000x128xf32>
    %get3A_17 = arith.constant 0 : index
    %get3A_18 = arith.constant 0 : index
    %get3A_19 = vector.load %arg4[%get3A_17, %get3A_18] : memref<1x128xf32, #tpu.memory_space<vmem>>, vector<1x128xf32>
    %mul3A_20 = vector.broadcast %get3A_19 : vector<1x128xf32> to vector<1000x128xf32>
    %mul3A_21 = arith.mulf %div3A_16, %mul3A_20 : vector<1000x128xf32>
    %get3A_22 = arith.constant 0 : index
    %get3A_23 = arith.constant 0 : index
    %get3A_24 = vector.load %arg5[%get3A_22, %get3A_23] : memref<1x128xf32, #tpu.memory_space<vmem>>, vector<1x128xf32>
    %add3A_25 = vector.broadcast %get3A_24 : vector<1x128xf32> to vector<1000x128xf32>
    %add3A_26 = arith.addf %mul3A_21, %add3A_25 : vector<1000x128xf32>
    %swap3A = arith.constant 0 : index
    %swap3A_27 = arith.constant 0 : index
    %swap3A_28 = vector.load %arg6[%swap3A, %swap3A_27] : memref<1000x128xf32, #tpu.memory_space<vmem>>, vector<1000x128xf32>
    tpu.vector_store %arg6[%swap3A, %swap3A_27], %add3A_26 {strides = array<i32>} : memref<1000x128xf32, #tpu.memory_space<vmem>>, vector<1000x128xf32>,
    return
  }
  func.func @transform_0(%arg0: i32) -> (i32, i32) {
    %c0_i32 = arith.constant 0 : i32
    %c0_i32_0 = arith.constant 0 : i32
    return %arg0, %c0_i32 : i32, i32
  }
  func.func @transform_1(%arg0: i32) -> (i32, i32) {
    %c0_i32 = arith.constant 0 : i32
    %c0_i32_0 = arith.constant 0 : i32
    %c0_i32_1 = arith.constant 0 : i32
    return %c0_i32, %c0_i32_0 : i32, i32
  }
  func.func @transform_2(%arg0: i32) -> (i32, i32) {
    %c0_i32 = arith.constant 0 : i32
    %c0_i32_0 = arith.constant 0 : i32
    %c0_i32_1 = arith.constant 0 : i32
    return %c0_i32, %c0_i32_0 : i32, i32
  }
  func.func @transform_3(%arg0: i32) -> (i32, i32) {
    %c0_i32 = arith.constant 0 : i32
    %c0_i32_0 = arith.constant 0 : i32
    %c0_i32_1 = arith.constant 0 : i32
    return %c0_i32, %c0_i32_0 : i32, i32
  }
  func.func @transform_4(%arg0: i32) -> (i32, i32) {
    %c0_i32 = arith.constant 0 : i32
    %c0_i32_0 = arith.constant 0 : i32
    %c0_i32_1 = arith.constant 0 : i32
    return %c0_i32, %c0_i32_0 : i32, i32
  }
  func.func @transform_5(%arg0: i32) -> (i32, i32) {
    %c0_i32 = arith.constant 0 : i32
    %c0_i32_0 = arith.constant 0 : i32
    return %arg0, %c0_i32 : i32, i32
  }
}

</mosaic_0001>

<sc_bundles>
// kernel: kernel.11.cloned.1.call-start
scs
__scs_entry_jumppad:
0x0: {  	(pc) =	sbr.rel $0x88, $3  }
0x1: {  	(tag) =	ssettag $0x0;
	lr =	simm.s32 $0x1  }
0x2: {  	[smem:$0x3F92] =	sst lr;
	_ =	strace $0xD0000000  }
0x3: {  	_ = 	snop  }
0x4: {  	_ = 	snop  }
0x5: {  	_ = 	snop  }
0x6: {  	_ = 	snop  }
0x7: {  	_ = 	snop  }
__scs_overlays_trampoline_lowered:
0x8: {  	[smem:$0x3FA1] =	sst s0  }
0x9: {  	[smem:$0x3FA2] =	sst s1  }
0xa: {  	[smem:$0x3FA3] =	sst s2  }
0xb: {  	[smem:$0x3FA4] =	sst s3  }
0xc: {  	[smem:$0x3FA5] =	sst s4  }
0xd: {  	[smem:$0x3FA6] =	sst s5  }
0xe: {  	[smem:$0x3FA7] =	sst s6  }
0xf: {  	[smem:$0x3FA8] =	sst s7  }
0x10: {  	[smem:$0x3FA9] =	sst s8  }
0x11: {  	[smem:$0x3FAA] =	sst s9;
	s0 =	simm.s32 @!p0 $0x0  }
0x12: {  	s1 =	sld [smem:$0x3F90];
	s0 =	simm.s32 @p0 $0x1  }
0x13: {  	[smem:$0x3FAB] =	sst s0;
	s0 =	simm.s32 @!p1 $0x0  }
0x14: {  	s2 =	sld [smem:$0x3F8F];
	s0 =	simm.s32 @p1 $0x1  }
0x15: {  	[smem:$0x3FAC] =	sst s0;
	s0 =	simm.s32 @!p2 $0x0  }
0x16: {  	s3 =	sld [smem:$0x3FDB];
	s0 =	simm.s32 @p2 $0x1  }
0x17: {  	s4 =	simm.s32 $0x1BF5;
	[smem:$0x3FAE] =	sst s0  }
0x18: {  	s0 =	sld [smem:$0x3F91];
	_ =	swait.ge [sflag:s4], $0x0  }
0x19: {  	s7 =	sld [smem:$0x3F92]  }
0x1a: {  	s8 =	sadd.s32 $0xFFFFE003, lr  }
0x1b: {  	s9 =	sadd.s32 $0xFFFFFEF7, lr;
	s5 =	simm.s32 $0xFFFFFFFF;
	p2 =	slt.u32 s8, $0xFFFFF086  }
0x1c: {  	p1 =	slt.u32 s9, $0xF7A;
	s5 =	simm.s32 @!p2 $0x0  }
0x1d: {  	s5 =	simm.s32 @p1 $0x1;
	p0 =	seq.s32 s7, s2  }
0x1e: {  	s7 =	smul.u32 @!p0 $0xF7A, s2;
	p2 =	seq.s32 @!p0 s5, $0x0  }
0x1f: {  	s9 =	smul.u32 $0xF7A, s1;
	s8 =	simm.s32 @!p0 $0x1BF5;
	p2 =	por !p2, p0  }
0x20: {  	[sflag:s8] =	ssyncset.s32 @!p0 $0xFFFFF086;
	s6 =	sadd.s32 @!p0 s3, s7;
	s7 =	simm.s32 @!p0 $0x108  }
0x21: {  	s3 =	sadd.s32 s3, s9;
	s6 =	sadd.s32 @!p0 $0x88, s6;
	s7 =	simm.s32 @p2 $0x1082  }
0x22: {  	[simem:s7], [sflag:s8] =	dma.local @!p0 [hbm:s6], $0xF7A  }
0x23: {  	s9 =	sor.u32 $0xD0000000, s2;
	s6 =	simm.s32 $0x108;
	_ =	swait.ge @!p0 [sflag:s8], $0x0  }
0x24: {  	s3 =	sadd.s32 $0x88, s3;
	s6 =	simm.s32 @!p1 $0x1082;
	[sflag:s4] =	ssyncset.s32 $0xFFFFF086  }
0x25: {  	[simem:s6], [sflag:s4] =	dma.local [hbm:s3], $0xF7A  }
0x26: {  	[smem:$0x3F92] =	sst s1;
	(tag) =	ssettag s2;
	_ =	strace s9  }
0x27: {  	s1 =	sld [smem:$0x3FA2]  }
0x28: {  	s2 =	sld [smem:$0x3FA3]  }
0x29: {  	s4 =	sld [smem:$0x3FA5]  }
0x2a: {  	p0 =	seq.s32 s5, $0x0;
	s5 =	sld [smem:$0x3FA6]  }
0x2b: {  	s6 =	sld [smem:$0x3FA7]  }
0x2c: {  	s7 =	sld [smem:$0x3FA8]  }
0x2d: {  	s3 =	simm.s32 $0x108;
	s8 =	sld [smem:$0x3FA9]  }
0x2e: {  	s3 =	simm.s32 @!p0 $0x1082;
	s9 =	sld [smem:$0x3FAA]  }
0x2f: {  	lr =	sadd.s32 s0, s3;
	s0 =	sld [smem:$0x3FA1]  }
0x30: {  	s3 =	sld [smem:$0x3FA4]  }
0x31: {  	[smem:$0x3FAD] =	sst s10  }
0x32: {  	s10 =	sld [smem:$0x3FAB];
	_ =	sdelay $0x3  }
0x33: {  	p0 =	seq.s32 s10, $0x1;
	s10 =	sld [smem:$0x3FAD];
	_ =	sdelay $0x3  }
0x34: {  	[smem:$0x3FAD] =	sst s10  }
0x35: {  	s10 =	sld [smem:$0x3FAC];
	_ =	sdelay $0x3  }
0x36: {  	p1 =	seq.s32 s10, $0x1;
	s10 =	sld [smem:$0x3FAD];
	_ =	sdelay $0x3  }
0x37: {  	[smem:$0x3FAD] =	sst s10  }
0x38: {  	s10 =	sld [smem:$0x3FAE]  }
0x39: {  	_ = 	snop;
	(pc) =	sbr.ind lr, $3  }
0x3a: {  	_ = 	snop  }
0x3b: {  	_ = 	snop  }
0x3c: {  	p2 =	seq.s32 s10, $0x1;
	s10 =	sld [smem:$0x3FAD]  }
0x3d: {  	_ =	shalt  }
0x3e: {  	_ =	shalt  }
0x3f: {  	_ =	shalt  }
0x40: {  	_ =	shalt  }
0x41: {  	_ =	shalt  }
0x42: {  	_ =	shalt  }
0x43: {  	_ =	shalt  }
0x44: {  	_ =	shalt  }
0x45: {  	_ =	shalt  }
0x46: {  	_ =	shalt  }
0x47: {  	_ =	shalt  }
0x48: {  	_ =	shalt  }
0x49: {  	_ =	shalt  }
0x4a: {  	_ =	shalt  }
0x4b: {  	_ =	shalt  }
0x4c: {  	_ =	shalt  }
0x4d: {  	_ =	shalt  }
0x4e: {  	_ =	shalt  }
0x4f: {  	_ =	shalt  }
0x50: {  	_ =	shalt  }
0x51: {  	_ =	shalt  }
0x52: {  	_ =	shalt  }
0x53: {  	_ =	shalt  }
0x54: {  	_ =	shalt  }
0x55: {  	_ =	shalt  }
0x56: {  	_ =	shalt  }
0x57: {  	_ =	shalt  }
0x58: {  	_ =	shalt  }
0x59: {  	_ =	shalt  }
0x5a: {  	_ =	shalt  }
0x5b: {  	_ =	shalt  }
0x5c: {  	_ =	shalt  }
0x5d: {  	_ =	shalt  }
0x5e: {  	_ =	shalt  }
0x5f: {  	_ =	shalt  }
0x60: {  	_ =	shalt  }
0x61: {  	_ =	shalt  }
0x62: {  	_ =	shalt  }
0x63: {  	_ =	shalt  }
0x64: {  	_ =	shalt  }
0x65: {  	_ =	shalt  }
0x66: {  	_ =	shalt  }
0x67: {  	_ =	shalt  }
0x68: {  	_ =	shalt  }
0x69: {  	_ =	shalt  }
0x6a: {  	_ =	shalt  }
0x6b: {  	_ =	shalt  }
0x6c: {  	_ =	shalt  }
0x6d: {  	_ =	shalt  }
0x6e: {  	_ =	shalt  }
0x6f: {  	_ =	shalt  }
0x70: {  	_ =	shalt  }
0x71: {  	_ =	shalt  }
0x72: {  	_ =	shalt  }
0x73: {  	_ =	shalt  }
0x74: {  	_ =	shalt  }
0x75: {  	_ =	shalt  }
0x76: {  	_ =	shalt  }
0x77: {  	_ =	shalt  }
0x78: {  	_ =	shalt  }
0x79: {  	_ =	shalt  }
0x7a: {  	_ =	shalt  }
0x7b: {  	_ =	shalt  }
0x7c: {  	_ =	shalt  }
0x7d: {  	_ =	shalt  }
0x7e: {  	_ =	shalt  }
0x7f: {  	_ =	shalt  }
0x80: {  	_ =	shalt  }
0x81: {  	_ =	shalt  }
0x82: {  	_ =	shalt  }
0x83: {  	_ =	shalt  }
0x84: {  	_ =	shalt  }
0x85: {  	_ =	shalt  }
0x86: {  	_ =	shalt  }
0x87: {  	_ =	shalt  }
.Lfunc_end0:
.L_simem_size_0:
called_computation_lowered:
.L_overlay_start_0:
0x88: {  	s2 =	sld [smem:$0x3FD9]  }
0x89: {  	s3 =	sld [smem:$0x3FFE];
	_ =	sdelay $0x1  }
0x8a: {  	s1 =	srdreg.scid  }
0x8b: {  	s0 =	sand.u32 $0x1, s1  }
0x8c: {  	s16 =	sshll.u32 s0, $0xA;
	s2 =	sadd.s32 s3, s2  }
0x8d: {  	s2 =	sadd.s32 s2, s16  }
0x8e: {  	[smem:$0x3FB9] =	sst s2  }
0x8f: {  	_ = 	snop  }
0x90: {  	(tm) =	ssettm $0x1  }
0x91: {  	s17 =	sld [smem:$0x3FFB];
	_ =	sdelay $0x3  }
0x92: {  	_ =	strace s17  }
0x93: {  	s2 =	sld [smem:$0x3FFC];
	_ =	sdelay $0x3  }
0x94: {  	_ =	strace s2  }
0x95: {  	s2 =	sld [smem:$0x3FFD];
	_ =	sdelay $0x3  }
0x96: {  	_ =	strace s2  }
0x97: {  	_ =	strace $0x8FFFFFFF  }
0x98: {  	s18 =	sld [smem:$0x3FDB];
	_ =	sdelay $0x1  }
0x99: {  	s19 =	simm.s32 $_scs_section_size  }
0x9a: {  	s4 =	simm.s32 $_size__tile_overlayer_lowered;
	s5 =	simm.s32 $_tile_overlayer_lowered  }
0x9b: {  	s22 =	simm.s32 $0x1BFF;
	s21 =	sshll.u32 s5, $0x1;
	s2 =	sadd.s32 s19, s18  }
0x9c: {  	s6 =	simm.s32 $0x0;
	s20 =	sshll.u32 s4, $0x1;
	s4 =	sadd.s32 s21, s2  }
0x9d: {  	[timem:s6], [sflag:s22] =	dma.local [hbm:s4], s20  }
0x9e: {  	_ =	swait.ge [sflag:s22], s20  }
0x9f: {  	s3 =	ssub.s32 $0x0, s20;
	[sflag:s22] =	ssyncset.done $0x0  }
0xa0: {  	[sflag:s22] =	ssyncadd.s32 s3;
	_ =	sdelay $0x1  }
0xa1: {  	s23 =	simm.s32 $0x1B8B  }
0xa2: {  	_ =	swait.ge [sflag:s23], $0x1  }
0xa3: {  	[sflag:s23] =	ssyncset.done $0x0  }
0xa4: {  	s25 =	simm.s32 $0x1B8E;
	s24 =	sld [smem:$0x3FFE];
	[sflag:s23] =	ssyncadd.s32 $0xFFFFFFFF  }
0xa5: {  	s26 =	simm.s32 $execute0_lowered;
	[smem:$0x3FD2] =	sst s25  }
0xa6: {  	s4 =	sshll.u32 s26, $0x1;
	_ =	strace $0x80000046;
	[dreg:$0x1] =	wrdreg $0xFFFFFFFF  }
0xa7: {  	s28 =	simm.s32 $_size_execute0_lowered;
	s2 =	sadd.s32 s2, s4;
	[dreg:$0x0] =	wrdreg $0x0  }
0xa8: {  	s4 =	sshll.u32 s28, $0x1;
	[dreg:$0x2] =	wrdreg s2  }
0xa9: {  	[dreg:$0x3] =	wrdreg s4  }
0xaa: {  	[dreg:$0x4] =	wrdreg $0xC0  }
0xab: {  	_ =	task [dreg:s6], $0x5FFFF  }
0xac: {  	[dreg:$0x1] =	wrdreg $0xFFFFFFFF  }
0xad: {  	[dreg:$0x0] =	wrdreg $0x60  }
0xae: {  	[dreg:$0x2] =	wrdreg s24  }
0xaf: {  	[dreg:$0x3] =	wrdreg $0x0  }
0xb0: {  	[dreg:$0x4] =	wrdreg $0x9  }
0xb1: {  	_ =	task.clear_ibuf [dreg:s6], $0x5FFFF;
	_ =	strace $0x90000046  }
0xb2: {  	s29 =	simm.s32 $0x9;
	_ =	strace $0x80000048  }
0xb3: {  	_ =	swait.ge [sflag:s29], $0x1  }
0xb4: {  	[sflag:s29] =	ssyncadd.s32 $0xFFFFFFFF  }
0xb5: {  	_ =	strace $0x90000048  }
0xb6: {  	_ =	sfence  }
0xb7: {  	s30 =	sld [smem:$0x0];
	_ =	sdelay $0x2  }
0xb8: {  	s31 =	sshll.u32 s1, $0xD;
	s1 =	sshrl.u32 s1, $0x2  }
0xb9: {  	s3 =	sand.u32 $0x4000, s31;
	s1 =	sadd.s32 s1, s30  }
0xba: {  	s0 =	sor.u32 s3, s0;
	s1 =	sshll.u32 s1, $0x11  }
0xbb: {  	s0 =	sor.u32 s1, s0  }
0xbc: {  	s0 =	sadd.s32 $0x8F2B, s0  }
0xbd: {  	[sflag:s0] =	ssyncadd.remote.s32 $0x1  }
0xbe: {  	_ =	sfence.sel $0xFFFF  }
0xbf: {  	[dreg:$0x0] =	wrdreg $0xFFFFFFFF;
	(pc) =	sbr.abs _section_cstart, $3  }
0xc0: {  	[dreg:$0x1] =	wrdreg $0xFFFFFFFF  }
0xc1: {  	_ =	task.clear_ibuf [dreg:s6], $0x2FFFF;
	_ =	strace $0x9FFFFFFF  }
0xc2: {  	(tm) =	ssettm $0x7FFFFFFF  }
0xc3: {  	_ =	shalt  }
tec
execute0_lowered:
.L_overlay_start_1:
0x0: {  	(tag) =	ssettag $0x1  }
0x1: {  	s0 =	rddreg [dreg:$0x0];
	s1 =	srdreg.scid  }
0x2: {  	s12 =	stileid.u32;
	s2 =	rddreg [dreg:$0x1];
	s3 =	simm.s32 $0x0  }
0x3: {  	s28 =	simm.s32 $0x3900;
	s29 =	simm.s32 $0x1;
	s30 =	simm.s32 $0x3980  }
0x4: {  	s31 =	simm.s32 $0x2;
	s1 =	sand.u32 $0x1, s1;
	s5 =	smul.u32 $0x280, s12  }
0x5: {  	[smem:$0x7FF] =	sst s3;
	s4 =	sadd.s32 $0x16C00, s0;
	s20 =	sadd.s32 $0xCE00, s0  }
0x6: {  	s7 =	smul.u32 $0xA000, s12;
	s18 =	sadd.s32 $0x3000, s0;
	s26 =	sshll.u32 s12, $0x4  }
0x7: {  	s6 =	smul.u32 $0x2800, s1;
	_ =	strace $0x80000047;
	s21 =	ssub.s32 $0x2, s1  }
0x8: {  	s9 =	sshll.u32 s1, $0x4;
	s25 =	sshll.u32 s1, $0x8;
	s8 =	sshrl.u32 s21, $0x1  }
0x9: {  	s7 =	sshrl.u32 s7, $0x2;
	s9 =	sor.u32 s12, s9;
	s5 =	sadd.s32 s5, s6  }
0xa: {  	s1 =	sadd.s32 s25, s20;
	s8 =	ssub.s32 s21, s8;
	s5 =	sshll.u32 s5, $0x1  }
0xb: {  	s21 =	simm.s32 $0x3;
	s23 =	smax.u32 s8, $0x1;
	s0 =	sadd.s32 s5, s0  }
0xc: {  	s5 =	sadd.s32 s7, s2;
	[dreg:$0x4] =	wrdreg s23;
	s7 =	sor.u32 $0x9C0, s9  }
0xd: {  	s23 =	simm.s32 $0x4;
	s22 =	sadd.s32 $0x1BC00, s0;
	s8 =	sadd.s32 $0x800, s5  }
0xe: {  	s9 =	sadd.s32 $0x1000, s5;
	s13 =	sshll.u32 s7, $0x4;
	s10 =	sadd.s32 $0x1800, s5  }
0xf: {  	s11 =	sadd.s32 $0x2000, s5;
	s24 =	sadd.s32 $0x1BD00, s0;
	s15 =	sadd.s32 $0x1BE00, s0  }
0x10: {  	s16 =	sadd.s32 $0x1BF00, s0;
	s17 =	sadd.s32 $0x1C000, s0;
	s0 =	sadd.s32 s25, s18  }
0x11: {  	p0 =	sgt.u32 s7, $0x9C3;
	s25 =	simm.s32 $0x3880;
	[dreg:$0x3] =	wrdreg s22  }
0x12: {  	s14 =	sadd.s32 s20, s13;
	s13 =	sadd.s32 s18, s13;
	[dreg:$0x7] =	wrdreg s24  }
0x13: {  	s18 =	sadd.s32 s26, s1;
	s19 =	sadd.s32 s26, s0;
	s20 =	simm.s32 $0x2800  }
0x14: {  	s22 =	simm.s32 $0x3800;
	s24 =	simm.s32 $0x80;
	[dreg:$0x5] =	wrdreg s14  }
0x15: {  	v0 =	vimm.f32 $0.0e+00;
	s26 =	simm.s32 $0x3000;
	s1 =	simm.s32 $0x0;
	[dreg:$0x6] =	wrdreg s13  }
.LBB2_1:
0x16: {  	s0 =	simm.s32 $0x40;
	s6 =	simm.s32 $0x0  }
.LBB2_2:
0x17: {  	p1 =	sne.s32 s0, $0x1FC0;
	[tilespmem:s6+$0x2800] =	vst v0;
	s6 =	smov.u32 s0;
	s0 =	sadd.s32 $0x40, s0  }
.Ltmp0:
0x18: {  	(pc) =	sbr.rel @p1 .LBB2_2-.Ltmp0, $2  }
0x19: {  	_ =	sdelay $0x2  }
0x1a: {  	s6 =	sshra.s32 s6, $0x2  }
0x1b: {  	[tilespmem:s6+$0x2800] =	vst v0  }
0x1c: {  	[spmem:s5] =	stream.linear.scatter [tilespmem:s20], [sflag:$0x3], $0x800, $0x38;
	[tilespmem:$0x3A00] =	vst v63  }
0x1d: {  	_ =	swait.ge [sflag:s21], $0x800  }
0x1e: {  	[sflag:s21] =	ssyncset.done $0x0  }
0x1f: {  	[sflag:s21] =	ssyncadd.s32 $0xFFFFF800  }
0x20: {  	[spmem:s8] =	stream.linear.scatter [tilespmem:s20], [sflag:$0x3], $0x800, $0x38;
	[tilespmem:$0x3A00] =	vst v63  }
0x21: {  	_ =	swait.ge [sflag:s21], $0x800  }
0x22: {  	[sflag:s21] =	ssyncset.done $0x0  }
0x23: {  	[sflag:s21] =	ssyncadd.s32 $0xFFFFF800  }
0x24: {  	[spmem:s9] =	stream.linear.scatter [tilespmem:s20], [sflag:$0x3], $0x800, $0x38;
	[tilespmem:$0x3A00] =	vst v63  }
0x25: {  	_ =	swait.ge [sflag:s21], $0x800  }
0x26: {  	[sflag:s21] =	ssyncset.done $0x0  }
0x27: {  	[sflag:s21] =	ssyncadd.s32 $0xFFFFF800  }
0x28: {  	[spmem:s10] =	stream.linear.scatter [tilespmem:s20], [sflag:$0x3], $0x800, $0x38;
	[tilespmem:$0x3A00] =	vst v63  }
0x29: {  	_ =	swait.ge [sflag:s21], $0x800  }
0x2a: {  	[sflag:s21] =	ssyncset.done $0x0  }
0x2b: {  	[sflag:s21] =	ssyncadd.s32 $0xFFFFF800  }
0x2c: {  	[spmem:s11] =	stream.linear.scatter [tilespmem:s20], [sflag:$0x3], $0x800, $0x38;
	[tilespmem:$0x3A00] =	vst v63  }
0x2d: {  	_ =	swait.ge [sflag:s21], $0x800  }
0x2e: {  	[sflag:s21] =	ssyncset.done $0x0  }
0x2f: {  	[sflag:s21] =	ssyncadd.s32 $0xFFFFF800  }
0x30: {  	s0 =	sadd.s32 $0x0, s18;
	[bflag:$0x0] =	sbarrier.arrive $0xFFFF  }
0x31: {  	[tilespmem:s22], [sflag:$0x4] =	stream.linear.gather [hbm4b:s0+s3], $0x80, $0x38;
	[tilespmem:$0x3A00] =	vst v63  }
0x32: {  	_ =	swait.ge [sflag:s23], $0x80  }
0x33: {  	[sflag:s23] =	ssyncset.done $0x0  }
0x34: {  	[sflag:s23] =	ssyncadd.s32 $0xFFFFFF80  }
0x35: {  	[tilespmem:s20], [sflag:$0x1] =	stream.indirect.gather [hbm4b:s4+s24], $0x10, s22, s24, $0xb8;
	[tilespmem:$0x3A00] =	vst v63  }
0x36: {  	s0 =	sadd.s32 $0x200, s0  }
0x37: {  	[tilespmem:s25], [sflag:$0x4] =	stream.linear.gather [hbm4b:s0+s3], $0x80, $0x38;
	[tilespmem:$0x3A00] =	vst v63  }
0x38: {  	_ =	swait.ge [sflag:s23], $0x80  }
0x39: {  	[sflag:s23] =	ssyncset.done $0x0  }
0x3a: {  	[sflag:s23] =	ssyncadd.s32 $0xFFFFFF80  }
0x3b: {  	[tilespmem:s26], [sflag:$0x2] =	stream.indirect.gather [hbm4b:s4+s24], $0x10, s25, s24, $0xb8;
	[tilespmem:$0x3A00] =	vst v63  }
0x3c: {  	s14 =	sadd.s32 $0x0, s19  }
0x3d: {  	[tilespmem:s28], [sflag:$0x4] =	stream.linear.gather [hbm4b:s14+s3], $0x80, $0x38;
	[tilespmem:$0x3A00] =	vst v63  }
0x3e: {  	_ =	swait.ge [sflag:s23], $0x80  }
0x3f: {  	[sflag:s23] =	ssyncset.done $0x0  }
0x40: {  	[sflag:s23] =	ssyncadd.s32 $0xFFFFFF80  }
0x41: {  	_ =	swait.ge [sflag:s29], $0x800  }
0x42: {  	[sflag:s29] =	ssyncset.done $0x0  }
0x43: {  	[sflag:s29] =	ssyncadd.s32 $0xFFFFF800  }
0x44: {  	[spmem:s2] =	stream.indirect.scatter.add.f32 [tilespmem:s20], [sflag:$0x4], $0x10, s28, s24, $0xb8;
	[tilespmem:$0x3A00] =	vst v63  }
0x45: {  	_ =	swait.ge [sflag:s23], $0x800  }
0x46: {  	[sflag:s23] =	ssyncset.done $0x0  }
0x47: {  	s0 =	sadd.s32 $0x200, s14;
	[sflag:s23] =	ssyncadd.s32 $0xFFFFF800  }
0x48: {  	[tilespmem:s30], [sflag:$0x4] =	stream.linear.gather [hbm4b:s0+s3], $0x80, $0x38;
	[tilespmem:$0x3A00] =	vst v63  }
0x49: {  	_ =	swait.ge [sflag:s23], $0x80  }
0x4a: {  	[sflag:s23] =	ssyncset.done $0x0  }
0x4b: {  	[sflag:s23] =	ssyncadd.s32 $0xFFFFFF80  }
0x4c: {  	_ =	swait.ge [sflag:s31], $0x800  }
0x4d: {  	[sflag:s31] =	ssyncset.done $0x0  }
0x4e: {  	[sflag:s31] =	ssyncadd.s32 $0xFFFFF800  }
0x4f: {  	[spmem:s2] =	stream.indirect.scatter.add.f32 [tilespmem:s26], [sflag:$0x3], $0x10, s30, s24, $0xb8;
	[tilespmem:$0x3A00] =	vst v63  }
0x50: {  	_ =	swait.ge [sflag:s21], $0x800  }
0x51: {  	s6 =	simm.s32 $0x800;
	s0 =	simm.s32 $0x400;
	[sflag:s21] =	ssyncset.done $0x0  }
.LBB2_4:
0x52: {  	s12 =	sadd.s32 s0, s18  }
0x53: {  	[sflag:s21] =	ssyncadd.s32 $0xFFFFF800;
	s13 =	smov.u32 s6;
	s7 =	sadd.s32 $0x400, s6  }
0x54: {  	[tilespmem:s22], [sflag:$0x4] =	stream.linear.gather [hbm4b:s12+s3], $0x80, $0x38;
	[tilespmem:$0x3A00] =	vst v63  }
0x55: {  	p1 =	sne.s32 s6, $0x9800;
	_ =	swait.ge [sflag:s23], $0x80  }
0x56: {  	[sflag:s23] =	ssyncset.done $0x0  }
0x57: {  	[sflag:s23] =	ssyncadd.s32 $0xFFFFFF80  }
0x58: {  	[tilespmem:s20], [sflag:$0x1] =	stream.indirect.gather [hbm4b:s4+s24], $0x10, s22, s24, $0xb8;
	[tilespmem:$0x3A00] =	vst v63  }
0x59: {  	s6 =	sadd.s32 $0x200, s12  }
0x5a: {  	[tilespmem:s25], [sflag:$0x4] =	stream.linear.gather [hbm4b:s6+s3], $0x80, $0x38;
	[tilespmem:$0x3A00] =	vst v63  }
0x5b: {  	_ =	swait.ge [sflag:s23], $0x80  }
0x5c: {  	[sflag:s23] =	ssyncset.done $0x0  }
0x5d: {  	[sflag:s23] =	ssyncadd.s32 $0xFFFFFF80  }
0x5e: {  	[tilespmem:s26], [sflag:$0x2] =	stream.indirect.gather [hbm4b:s4+s24], $0x10, s25, s24, $0xb8;
	[tilespmem:$0x3A00] =	vst v63  }
0x5f: {  	s6 =	sadd.s32 s0, s19;
	s0 =	smov.u32 s13  }
0x60: {  	[tilespmem:s28], [sflag:$0x4] =	stream.linear.gather [hbm4b:s6+s3], $0x80, $0x38;
	[tilespmem:$0x3A00] =	vst v63  }
0x61: {  	_ =	swait.ge [sflag:s23], $0x80  }
0x62: {  	[sflag:s23] =	ssyncset.done $0x0  }
0x63: {  	[sflag:s23] =	ssyncadd.s32 $0xFFFFFF80  }
0x64: {  	_ =	swait.ge [sflag:s29], $0x800  }
0x65: {  	[sflag:s29] =	ssyncset.done $0x0  }
0x66: {  	[sflag:s29] =	ssyncadd.s32 $0xFFFFF800  }
0x67: {  	[spmem:s2] =	stream.indirect.scatter.add.f32 [tilespmem:s20], [sflag:$0x4], $0x10, s28, s24, $0xb8;
	[tilespmem:$0x3A00] =	vst v63  }
0x68: {  	_ =	swait.ge [sflag:s23], $0x800  }
0x69: {  	[sflag:s23] =	ssyncset.done $0x0  }
0x6a: {  	s6 =	sadd.s32 $0x200, s6;
	[sflag:s23] =	ssyncadd.s32 $0xFFFFF800  }
0x6b: {  	[tilespmem:s30], [sflag:$0x4] =	stream.linear.gather [hbm4b:s6+s3], $0x80, $0x38;
	[tilespmem:$0x3A00] =	vst v63  }
0x6c: {  	_ =	swait.ge [sflag:s23], $0x80  }
0x6d: {  	[sflag:s23] =	ssyncset.done $0x0  }
0x6e: {  	[sflag:s23] =	ssyncadd.s32 $0xFFFFFF80  }
0x6f: {  	_ =	swait.ge [sflag:s31], $0x800  }
.Ltmp1:
0x70: {  	[sflag:s31] =	ssyncset.done $0x0;
	(pc) =	sbr.rel @p1 .LBB2_4-.Ltmp1, $4  }
0x71: {  	[sflag:s31] =	ssyncadd.s32 $0xFFFFF800  }
0x72: {  	[spmem:s2] =	stream.indirect.scatter.add.f32 [tilespmem:s26], [sflag:$0x3], $0x10, s30, s24, $0xb8;
	[tilespmem:$0x3A00] =	vst v63  }
0x73: {  	_ =	swait.ge [sflag:s21], $0x800  }
0x74: {  	s6 =	smov.u32 s7;
	[sflag:s21] =	ssyncset.done $0x0  }
0x75: {  	s6 =	sadd.s32 s0, s18;
	[sflag:s21] =	ssyncadd.s32 $0xFFFFF800  }
0x76: {  	[tilespmem:s22], [sflag:$0x4] =	stream.linear.gather [hbm4b:s6+s3], $0x80, $0x38;
	[tilespmem:$0x3A00] =	vst v63  }
0x77: {  	_ =	swait.ge [sflag:s23], $0x80  }
0x78: {  	[sflag:s23] =	ssyncset.done $0x0  }
0x79: {  	[sflag:s23] =	ssyncadd.s32 $0xFFFFFF80  }
0x7a: {  	[tilespmem:s20], [sflag:$0x1] =	stream.indirect.gather [hbm4b:s4+s24], $0x10, s22, s24, $0xb8;
	[tilespmem:$0x3A00] =	vst v63  }
0x7b: {  	s6 =	sadd.s32 $0x200, s6  }
0x7c: {  	[tilespmem:s25], [sflag:$0x4] =	stream.linear.gather [hbm4b:s6+s3], $0x80, $0x38;
	[tilespmem:$0x3A00] =	vst v63  }
0x7d: {  	_ =	swait.ge [sflag:s23], $0x80  }
0x7e: {  	[sflag:s23] =	ssyncset.done $0x0  }
0x7f: {  	[sflag:s23] =	ssyncadd.s32 $0xFFFFFF80  }
0x80: {  	[tilespmem:s26], [sflag:$0x2] =	stream.indirect.gather [hbm4b:s4+s24], $0x10, s25, s24, $0xb8;
	[tilespmem:$0x3A00] =	vst v63  }
0x81: {  	s14 =	sadd.s32 s0, s19  }
0x82: {  	[tilespmem:s28], [sflag:$0x4] =	stream.linear.gather [hbm4b:s14+s3], $0x80, $0x38;
	[tilespmem:$0x3A00] =	vst v63  }
0x83: {  	_ =	swait.ge [sflag:s23], $0x80  }
0x84: {  	[sflag:s23] =	ssyncset.done $0x0  }
0x85: {  	[sflag:s23] =	ssyncadd.s32 $0xFFFFFF80  }
0x86: {  	_ =	swait.ge [sflag:s29], $0x800  }
0x87: {  	[sflag:s29] =	ssyncset.done $0x0  }
0x88: {  	[sflag:s29] =	ssyncadd.s32 $0xFFFFF800  }
0x89: {  	[spmem:s2] =	stream.indirect.scatter.add.f32 [tilespmem:s20], [sflag:$0x4], $0x10, s28, s24, $0xb8;
	[tilespmem:$0x3A00] =	vst v63  }
0x8a: {  	_ =	swait.ge [sflag:s23], $0x800  }
0x8b: {  	[sflag:s23] =	ssyncset.done $0x0  }
0x8c: {  	s0 =	sadd.s32 $0x200, s14;
	[sflag:s23] =	ssyncadd.s32 $0xFFFFF800  }
0x8d: {  	[tilespmem:s30], [sflag:$0x4] =	stream.linear.gather [hbm4b:s0+s3], $0x80, $0x38;
	[tilespmem:$0x3A00] =	vst v63  }
0x8e: {  	_ =	swait.ge [sflag:s23], $0x80  }
0x8f: {  	[sflag:s23] =	ssyncset.done $0x0  }
0x90: {  	[sflag:s23] =	ssyncadd.s32 $0xFFFFFF80  }
0x91: {  	_ =	swait.ge [sflag:s31], $0x800  }
0x92: {  	[sflag:s31] =	ssyncset.done $0x0  }
0x93: {  	[sflag:s31] =	ssyncadd.s32 $0xFFFFF800  }
0x94: {  	[spmem:s2] =	stream.indirect.scatter.add.f32 [tilespmem:s26], [sflag:$0x3], $0x10, s30, s24, $0xb8;
	[tilespmem:$0x3A00] =	vst v63  }
0x95: {  	_ =	swait.ge [sflag:s21], $0x800  }
0x96: {  	s6 =	simm.s32 @!p0 $0x3800;
	[sflag:s21] =	ssyncset.done $0x0  }
0x97: {  	s0 =	simm.s32 @!p0 $0x0;
	s7 =	rddreg [dreg:$0x5];
	[sflag:s21] =	ssyncadd.s32 $0xFFFFF800  }
0x98: {  	[tilespmem:s6], [sflag:$0x4] =	stream.linear.gather @!p0 [hbm4b:s7+s0], $0x80, $0x38;
	[tilespmem:$0x3A00] =	vst v63  }
0x99: {  	s7 =	simm.s32 @!p0 $0x4  }
0x9a: {  	_ =	swait.ge @!p0 [sflag:s7], $0x80  }
0x9b: {  	[sflag:s7] =	ssyncset.done @!p0 $0x0  }
0x9c: {  	s12 =	simm.s32 @!p0 $0x80;
	s13 =	simm.s32 @!p0 $0x2800;
	[sflag:s7] =	ssyncadd.s32 @!p0 $0xFFFFFF80  }
0x9d: {  	[tilespmem:s13], [sflag:$0x1] =	stream.indirect.gather @!p0 [hbm4b:s4+s12], $0x10, s6, s12, $0xb8;
	[tilespmem:$0x3A00] =	vst v63  }
0x9e: {  	s14 =	rddreg [dreg:$0x6];
	s6 =	simm.s32 @!p0 $0x3900  }
0x9f: {  	[tilespmem:s6], [sflag:$0x4] =	stream.linear.gather @!p0 [hbm4b:s14+s0], $0x80, $0x38;
	[tilespmem:$0x3A00] =	vst v63  }
0xa0: {  	_ =	swait.ge @!p0 [sflag:s7], $0x80  }
0xa1: {  	[sflag:s7] =	ssyncset.done @!p0 $0x0  }
0xa2: {  	s0 =	simm.s32 @!p0 $0x1;
	[sflag:s7] =	ssyncadd.s32 @!p0 $0xFFFFFF80  }
0xa3: {  	_ =	swait.ge @!p0 [sflag:s0], $0x800  }
0xa4: {  	[sflag:s0] =	ssyncset.done @!p0 $0x0  }
0xa5: {  	[sflag:s0] =	ssyncadd.s32 @!p0 $0xFFFFF800  }
0xa6: {  	[spmem:s2] =	stream.indirect.scatter.add.f32 @!p0 [tilespmem:s13], [sflag:$0x4], $0x10, s6, s12, $0xb8;
	[tilespmem:$0x3A00] =	vst v63  }
0xa7: {  	_ =	swait.ge @!p0 [sflag:s7], $0x800  }
0xa8: {  	[sflag:s7] =	ssyncset.done @!p0 $0x0  }
0xa9: {  	s6 =	stileid.u32;
	[sflag:s7] =	ssyncadd.s32 @!p0 $0xFFFFF800  }
0xaa: {  	s0 =	sshll.u32 s6, $0x6;
	[bflag:$0x0] =	sbarrier.arrive $0xFFFF  }
0xab: {  	s0 =	sor.u32 $0x1C03, s0;
	s7 =	sshrl.u32 s5, $0x3;
	s12 =	rddreg [dreg:$0x3]  }
0xac: {  	[hbm:s12], [sflag:s0] =	dma.local [spmem:s7], $0x100  }
0xad: {  	_ =	swait.ge [sflag:s21], $0x100  }
0xae: {  	[sflag:s21] =	ssyncset.done $0x0  }
0xaf: {  	s13 =	sshrl.u32 s8, $0x3;
	s14 =	rddreg [dreg:$0x7];
	[sflag:s21] =	ssyncadd.s32 $0xFFFFFF00  }
0xb0: {  	[hbm:s14], [sflag:s0] =	dma.local [spmem:s13], $0x100  }
0xb1: {  	_ =	swait.ge [sflag:s21], $0x100  }
0xb2: {  	[sflag:s21] =	ssyncset.done $0x0  }
0xb3: {  	s7 =	sshrl.u32 s9, $0x3;
	[sflag:s21] =	ssyncadd.s32 $0xFFFFFF00  }
0xb4: {  	[hbm:s15], [sflag:s0] =	dma.local [spmem:s7], $0x100  }
0xb5: {  	_ =	swait.ge [sflag:s21], $0x100  }
0xb6: {  	[sflag:s21] =	ssyncset.done $0x0  }
0xb7: {  	s12 =	sshrl.u32 s10, $0x3;
	[sflag:s21] =	ssyncadd.s32 $0xFFFFFF00  }
0xb8: {  	[hbm:s16], [sflag:s0] =	dma.local [spmem:s12], $0x100  }
0xb9: {  	_ =	swait.ge [sflag:s21], $0x100  }
0xba: {  	[sflag:s21] =	ssyncset.done $0x0  }
0xbb: {  	s13 =	sshrl.u32 s11, $0x3;
	[sflag:s21] =	ssyncadd.s32 $0xFFFFFF00  }
0xbc: {  	[hbm:s17], [sflag:s0] =	dma.local [spmem:s13], $0x100  }
0xbd: {  	_ =	swait.ge [sflag:s21], $0x100  }
0xbe: {  	s1 =	sadd.s32 $0x1, s1;
	s14 =	rddreg [dreg:$0x4]  }
0xbf: {  	p1 =	sne.s32 s1, s14  }
.Ltmp2:
0xc0: {  	_ = 	snop;
	(pc) =	sbr.rel @p1 .LBB2_1-.Ltmp2, $3  }
0xc1: {  	_ =	sdelay $0x1  }
0xc2: {  	[sflag:s21] =	ssyncset.done $0x0  }
0xc3: {  	[sflag:s21] =	ssyncadd.s32 $0xFFFFFF00  }
0xc4: {  	_ =	sfence.sel $0x180000  }
0xc5: {  	[bflag:$0x0] =	sbarrier.arrive $0xFFFF  }
0xc6: {  	_ =	strace $0x90000047  }
0xc7: {  	s0 =	stileid.u32;
	[bflag:$0x2] =	sbarrier.arrive $0xFFFF  }
0xc8: {  	p0 =	sne.s32 s0, $0x0;
	s0 =	rddreg [dreg:$0x2]  }
0xc9: {  	s0 =	sadd.s32 @!p0 $0x100000, s0  }
0xca: {  	[sflag:s0] =	ssyncadd.tile.s32 @!p0 $0x1;
	_ =	shalt  }
.Lfunc_end2:
_tile_overlayer_lowered:
.L_overlay_start_2:
0xcb: {  	(tag) =	ssettag $0x2  }
0xcc: {  	s0 =	rddreg [dreg:$0x0];
	s2 =	stileid.u32  }
0xcd: {  	s1 =	rddreg [dreg:$0x1];
	p0 =	sne.s32 s2, $0x0  }
0xce: {  	s3 =	rddreg [dreg:$0x2];
	[bflag:$0x3] =	sbarrier.arrive $0xFFFF;
	s2 =	simm.s32 @!p0 $0x1C03  }
0xcf: {  	[timem:s3], [sflag:s2] =	dma.local @!p0 [hbm:s0], s1  }
0xd0: {  	s0 =	simm.s32 @!p0 $0x3  }
0xd1: {  	_ =	swait.ge @!p0 [sflag:s0], s1  }
0xd2: {  	s1 =	ssub.s32 @!p0 $0x0, s1;
	[sflag:s0] =	ssyncset.done @!p0 $0x0  }
0xd3: {  	[sflag:s0] =	ssyncadd.s32 @!p0 s1  }
0xd4: {  	[bflag:$0x3] =	sbarrier.arrive $0xFFFF  }
0xd5: {  	_ =	shalt  }

// kernel: kernel.14.cloned.1.call-start
scs
__scs_entry_jumppad:
0x0: {  	(pc) =	sbr.rel $0x88, $3  }
0x1: {  	(tag) =	ssettag $0x0;
	lr =	simm.s32 $0x1  }
0x2: {  	[smem:$0x3F92] =	sst lr;
	_ =	strace $0xD0000000  }
0x3: {  	_ = 	snop  }
0x4: {  	_ = 	snop  }
0x5: {  	_ = 	snop  }
0x6: {  	_ = 	snop  }
0x7: {  	_ = 	snop  }
__scs_overlays_trampoline_lowered:
0x8: {  	[smem:$0x3FA1] =	sst s0  }
0x9: {  	[smem:$0x3FA2] =	sst s1  }
0xa: {  	[smem:$0x3FA3] =	sst s2  }
0xb: {  	[smem:$0x3FA4] =	sst s3  }
0xc: {  	[smem:$0x3FA5] =	sst s4  }
0xd: {  	[smem:$0x3FA6] =	sst s5  }
0xe: {  	[smem:$0x3FA7] =	sst s6  }
0xf: {  	[smem:$0x3FA8] =	sst s7  }
0x10: {  	[smem:$0x3FA9] =	sst s8  }
0x11: {  	[smem:$0x3FAA] =	sst s9;
	s0 =	simm.s32 @!p0 $0x0  }
0x12: {  	s1 =	sld [smem:$0x3F90];
	s0 =	simm.s32 @p0 $0x1  }
0x13: {  	[smem:$0x3FAB] =	sst s0;
	s0 =	simm.s32 @!p1 $0x0  }
0x14: {  	s2 =	sld [smem:$0x3F8F];
	s0 =	simm.s32 @p1 $0x1  }
0x15: {  	[smem:$0x3FAC] =	sst s0;
	s0 =	simm.s32 @!p2 $0x0  }
0x16: {  	s3 =	sld [smem:$0x3FDB];
	s0 =	simm.s32 @p2 $0x1  }
0x17: {  	s4 =	simm.s32 $0x1BF5;
	[smem:$0x3FAE] =	sst s0  }
0x18: {  	s0 =	sld [smem:$0x3F91];
	_ =	swait.ge [sflag:s4], $0x0  }
0x19: {  	s7 =	sld [smem:$0x3F92]  }
0x1a: {  	s8 =	sadd.s32 $0xFFFFE003, lr  }
0x1b: {  	s9 =	sadd.s32 $0xFFFFFEF7, lr;
	s5 =	simm.s32 $0xFFFFFFFF;
	p2 =	slt.u32 s8, $0xFFFFF086  }
0x1c: {  	p1 =	slt.u32 s9, $0xF7A;
	s5 =	simm.s32 @!p2 $0x0  }
0x1d: {  	s5 =	simm.s32 @p1 $0x1;
	p0 =	seq.s32 s7, s2  }
0x1e: {  	s7 =	smul.u32 @!p0 $0xF7A, s2;
	p2 =	seq.s32 @!p0 s5, $0x0  }
0x1f: {  	s9 =	smul.u32 $0xF7A, s1;
	s8 =	simm.s32 @!p0 $0x1BF5;
	p2 =	por !p2, p0  }
0x20: {  	[sflag:s8] =	ssyncset.s32 @!p0 $0xFFFFF086;
	s6 =	sadd.s32 @!p0 s3, s7;
	s7 =	simm.s32 @!p0 $0x108  }
0x21: {  	s3 =	sadd.s32 s3, s9;
	s6 =	sadd.s32 @!p0 $0x88, s6;
	s7 =	simm.s32 @p2 $0x1082  }
0x22: {  	[simem:s7], [sflag:s8] =	dma.local @!p0 [hbm:s6], $0xF7A  }
0x23: {  	s9 =	sor.u32 $0xD0000000, s2;
	s6 =	simm.s32 $0x108;
	_ =	swait.ge @!p0 [sflag:s8], $0x0  }
0x24: {  	s3 =	sadd.s32 $0x88, s3;
	s6 =	simm.s32 @!p1 $0x1082;
	[sflag:s4] =	ssyncset.s32 $0xFFFFF086  }
0x25: {  	[simem:s6], [sflag:s4] =	dma.local [hbm:s3], $0xF7A  }
0x26: {  	[smem:$0x3F92] =	sst s1;
	(tag) =	ssettag s2;
	_ =	strace s9  }
0x27: {  	s1 =	sld [smem:$0x3FA2]  }
0x28: {  	s2 =	sld [smem:$0x3FA3]  }
0x29: {  	s4 =	sld [smem:$0x3FA5]  }
0x2a: {  	p0 =	seq.s32 s5, $0x0;
	s5 =	sld [smem:$0x3FA6]  }
0x2b: {  	s6 =	sld [smem:$0x3FA7]  }
0x2c: {  	s7 =	sld [smem:$0x3FA8]  }
0x2d: {  	s3 =	simm.s32 $0x108;
	s8 =	sld [smem:$0x3FA9]  }
0x2e: {  	s3 =	simm.s32 @!p0 $0x1082;
	s9 =	sld [smem:$0x3FAA]  }
0x2f: {  	lr =	sadd.s32 s0, s3;
	s0 =	sld [smem:$0x3FA1]  }
0x30: {  	s3 =	sld [smem:$0x3FA4]  }
0x31: {  	[smem:$0x3FAD] =	sst s10  }
0x32: {  	s10 =	sld [smem:$0x3FAB];
	_ =	sdelay $0x3  }
0x33: {  	p0 =	seq.s32 s10, $0x1;
	s10 =	sld [smem:$0x3FAD];
	_ =	sdelay $0x3  }
0x34: {  	[smem:$0x3FAD] =	sst s10  }
0x35: {  	s10 =	sld [smem:$0x3FAC];
	_ =	sdelay $0x3  }
0x36: {  	p1 =	seq.s32 s10, $0x1;
	s10 =	sld [smem:$0x3FAD];
	_ =	sdelay $0x3  }
0x37: {  	[smem:$0x3FAD] =	sst s10  }
0x38: {  	s10 =	sld [smem:$0x3FAE]  }
0x39: {  	_ = 	snop;
	(pc) =	sbr.ind lr, $3  }
0x3a: {  	_ = 	snop  }
0x3b: {  	_ = 	snop  }
0x3c: {  	p2 =	seq.s32 s10, $0x1;
	s10 =	sld [smem:$0x3FAD]  }
0x3d: {  	_ =	shalt  }
0x3e: {  	_ =	shalt  }
0x3f: {  	_ =	shalt  }
0x40: {  	_ =	shalt  }
0x41: {  	_ =	shalt  }
0x42: {  	_ =	shalt  }
0x43: {  	_ =	shalt  }
0x44: {  	_ =	shalt  }
0x45: {  	_ =	shalt  }
0x46: {  	_ =	shalt  }
0x47: {  	_ =	shalt  }
0x48: {  	_ =	shalt  }
0x49: {  	_ =	shalt  }
0x4a: {  	_ =	shalt  }
0x4b: {  	_ =	shalt  }
0x4c: {  	_ =	shalt  }
0x4d: {  	_ =	shalt  }
0x4e: {  	_ =	shalt  }
0x4f: {  	_ =	shalt  }
0x50: {  	_ =	shalt  }
0x51: {  	_ =	shalt  }
0x52: {  	_ =	shalt  }
0x53: {  	_ =	shalt  }
0x54: {  	_ =	shalt  }
0x55: {  	_ =	shalt  }
0x56: {  	_ =	shalt  }
0x57: {  	_ =	shalt  }
0x58: {  	_ =	shalt  }
0x59: {  	_ =	shalt  }
0x5a: {  	_ =	shalt  }
0x5b: {  	_ =	shalt  }
0x5c: {  	_ =	shalt  }
0x5d: {  	_ =	shalt  }
0x5e: {  	_ =	shalt  }
0x5f: {  	_ =	shalt  }
0x60: {  	_ =	shalt  }
0x61: {  	_ =	shalt  }
0x62: {  	_ =	shalt  }
0x63: {  	_ =	shalt  }
0x64: {  	_ =	shalt  }
0x65: {  	_ =	shalt  }
0x66: {  	_ =	shalt  }
0x67: {  	_ =	shalt  }
0x68: {  	_ =	shalt  }
0x69: {  	_ =	shalt  }
0x6a: {  	_ =	shalt  }
0x6b: {  	_ =	shalt  }
0x6c: {  	_ =	shalt  }
0x6d: {  	_ =	shalt  }
0x6e: {  	_ =	shalt  }
0x6f: {  	_ =	shalt  }
0x70: {  	_ =	shalt  }
0x71: {  	_ =	shalt  }
0x72: {  	_ =	shalt  }
0x73: {  	_ =	shalt  }
0x74: {  	_ =	shalt  }
0x75: {  	_ =	shalt  }
0x76: {  	_ =	shalt  }
0x77: {  	_ =	shalt  }
0x78: {  	_ =	shalt  }
0x79: {  	_ =	shalt  }
0x7a: {  	_ =	shalt  }
0x7b: {  	_ =	shalt  }
0x7c: {  	_ =	shalt  }
0x7d: {  	_ =	shalt  }
0x7e: {  	_ =	shalt  }
0x7f: {  	_ =	shalt  }
0x80: {  	_ =	shalt  }
0x81: {  	_ =	shalt  }
0x82: {  	_ =	shalt  }
0x83: {  	_ =	shalt  }
0x84: {  	_ =	shalt  }
0x85: {  	_ =	shalt  }
0x86: {  	_ =	shalt  }
0x87: {  	_ =	shalt  }
.Lfunc_end0:
.L_simem_size_0:
called_computation.1_lowered:
.L_overlay_start_0:
0x88: {  	s2 =	sld [smem:$0x3FD9]  }
0x89: {  	s3 =	sld [smem:$0x3FFE];
	_ =	sdelay $0x1  }
0x8a: {  	s1 =	srdreg.scid  }
0x8b: {  	s0 =	sand.u32 $0x1, s1  }
0x8c: {  	s17 =	sshll.u32 s0, $0xA;
	s2 =	sadd.s32 s3, s2  }
0x8d: {  	s2 =	sadd.s32 s2, s17  }
0x8e: {  	[smem:$0x3FB9] =	sst s2  }
0x8f: {  	_ = 	snop  }
0x90: {  	s18 =	sld [smem:$0x3FD0];
	(tm) =	ssettm $0x1  }
0x91: {  	s19 =	sld [smem:$0x3FFB];
	_ =	sdelay $0x3  }
0x92: {  	_ =	strace s19  }
0x93: {  	s2 =	sld [smem:$0x3FFC];
	_ =	sdelay $0x3  }
0x94: {  	_ =	strace s2  }
0x95: {  	s2 =	sld [smem:$0x3FFD];
	_ =	sdelay $0x3  }
0x96: {  	_ =	strace s2  }
0x97: {  	_ =	strace $0x8FFFFFFF  }
0x98: {  	s20 =	sld [smem:$0x3FDB];
	_ =	sdelay $0x1  }
0x99: {  	s4 =	simm.s32 $_scs_section_size  }
0x9a: {  	s5 =	simm.s32 $_size__tile_overlayer_lowered;
	s6 =	simm.s32 $_tile_overlayer_lowered  }
0x9b: {  	s7 =	simm.s32 $0x1BFF;
	s21 =	sshll.u32 s6, $0x1;
	s4 =	sadd.s32 s4, s20  }
0x9c: {  	s22 =	simm.s32 $0x0;
	s5 =	sshll.u32 s5, $0x1;
	s6 =	sadd.s32 s21, s4  }
0x9d: {  	[timem:s22], [sflag:s7] =	dma.local [hbm:s6], s5  }
0x9e: {  	_ =	swait.ge [sflag:s7], s5  }
0x9f: {  	s5 =	ssub.s32 $0x0, s5;
	[sflag:s7] =	ssyncset.done $0x0  }
0xa0: {  	[sflag:s7] =	ssyncadd.s32 s5;
	_ =	sdelay $0x1  }
0xa1: {  	s23 =	simm.s32 $0x1B8B  }
0xa2: {  	_ =	swait.ge [sflag:s23], $0x1  }
0xa3: {  	[sflag:s23] =	ssyncset.done $0x0  }
0xa4: {  	[sflag:s23] =	ssyncadd.s32 $0xFFFFFFFF  }
0xa5: {  	s5 =	sld [smem:$0x0]  }
0xa6: {  	s6 =	sand.u32 $0xFFFFFFFE, s1  }
0xa7: {  	p0 =	sne.s32 s1, s6  }
0xa8: {  	s6 =	sshll.u32 @p0 s6, $0xE  }
0xa9: {  	s6 =	sadd.s32 @p0 $0x11B8D, s6;
	s7 =	sshll.u32 @p0 s5, $0x11  }
0xaa: {  	s6 =	sor.u32 @p0 s7, s6  }
0xab: {  	[sflag:s6] =	ssyncadd.remote.s32 @p0 $0x1;
	_ =	sdelay $0x1  }
0xac: {  	s6 =	simm.s32 @p0 $0x1B8D  }
0xad: {  	_ =	swait.eq @p0 [sflag:s6], $0x1  }
0xae: {  	[sflag:s6] =	ssyncadd.s32 @p0 $0xFFFFFFFF  }
0xaf: {  	s7 =	sshll.u32 @!p0 s1, $0xE  }
0xb0: {  	s7 =	sor.u32 @!p0 $0x4000, s7;
	s6 =	simm.s32 @!p0 $0x1B8D  }
0xb1: {  	s5 =	sshll.u32 @!p0 s5, $0x11;
	s7 =	sadd.s32 @!p0 $0x11B8D, s7;
	_ =	swait.eq @!p0 [sflag:s6], $0x1  }
0xb2: {  	s5 =	sor.u32 @!p0 s5, s7;
	[sflag:s6] =	ssyncadd.s32 @!p0 $0xFFFFFFFF  }
0xb3: {  	s25 =	simm.s32 $0x1B8E;
	s24 =	sld [smem:$0x3FFE];
	[sflag:s5] =	ssyncadd.remote.s32 @!p0 $0x1  }
0xb4: {  	s26 =	simm.s32 $execute0_lowered;
	[smem:$0x3FD2] =	sst s25  }
0xb5: {  	s6 =	sshll.u32 s26, $0x1;
	_ =	strace $0x80000049;
	[dreg:$0x1] =	wrdreg $0xFFFFFFFF  }
0xb6: {  	s28 =	simm.s32 $_size_execute0_lowered;
	s4 =	sadd.s32 s4, s6;
	[dreg:$0x0] =	wrdreg $0x0  }
0xb7: {  	s6 =	sshll.u32 s28, $0x1;
	[dreg:$0x2] =	wrdreg s4  }
0xb8: {  	[dreg:$0x3] =	wrdreg s6  }
0xb9: {  	[dreg:$0x4] =	wrdreg $0xC0  }
0xba: {  	_ =	task [dreg:s22], $0x5FFFF  }
0xbb: {  	[dreg:$0x1] =	wrdreg $0xFFFFFFFF  }
0xbc: {  	[dreg:$0x0] =	wrdreg $0x60  }
0xbd: {  	[dreg:$0x2] =	wrdreg s18  }
0xbe: {  	[dreg:$0x3] =	wrdreg s24  }
0xbf: {  	[dreg:$0x4] =	wrdreg $0x0  }
0xc0: {  	[dreg:$0x5] =	wrdreg $0xA  }
0xc1: {  	_ =	task.clear_ibuf [dreg:s22], $0x6FFFF;
	_ =	strace $0x90000049  }
0xc2: {  	s29 =	simm.s32 $0xA;
	_ =	strace $0x8000004B  }
0xc3: {  	_ =	swait.ge [sflag:s29], $0x1  }
0xc4: {  	[sflag:s29] =	ssyncadd.s32 $0xFFFFFFFF  }
0xc5: {  	_ =	strace $0x9000004B  }
0xc6: {  	_ =	sfence  }
0xc7: {  	s30 =	sld [smem:$0x0];
	_ =	sdelay $0x2  }
0xc8: {  	s31 =	sshll.u32 s1, $0xD;
	s1 =	sshrl.u32 s1, $0x2  }
0xc9: {  	s4 =	sand.u32 $0x4000, s31;
	s1 =	sadd.s32 s1, s30  }
0xca: {  	s0 =	sor.u32 s4, s0;
	s1 =	sshll.u32 s1, $0x11  }
0xcb: {  	s0 =	sor.u32 s1, s0  }
0xcc: {  	s0 =	sadd.s32 $0x8F2B, s0  }
0xcd: {  	[sflag:s0] =	ssyncadd.remote.s32 $0x1  }
0xce: {  	_ =	sfence.sel $0xFFFF  }
0xcf: {  	[dreg:$0x0] =	wrdreg $0xFFFFFFFF;
	(pc) =	sbr.abs _section_cstart, $3  }
0xd0: {  	[dreg:$0x1] =	wrdreg $0xFFFFFFFF  }
0xd1: {  	_ =	task.clear_ibuf [dreg:s22], $0x2FFFF;
	_ =	strace $0x9FFFFFFF  }
0xd2: {  	(tm) =	ssettm $0x7FFFFFFF  }
0xd3: {  	_ =	shalt  }
tec
execute0_lowered:
.L_overlay_start_1:
0x0: {  	(tag) =	ssettag $0x1  }
0x1: {  	s1 =	rddreg [dreg:$0x0]  }
0x2: {  	s0 =	rddreg [dreg:$0x1];
	s2 =	srdreg.scid  }
0x3: {  	s12 =	stileid.u32;
	s3 =	rddreg [dreg:$0x2]  }
0x4: {  	s4 =	simm.s32 $0x0;
	s28 =	simm.s32 $0x1C100;
	s29 =	simm.s32 $0x1  }
0x5: {  	s30 =	simm.s32 $0x1C180;
	s31 =	simm.s32 $0x2;
	s2 =	sand.u32 $0x1, s2  }
0x6: {  	s5 =	smul.u32 $0x280, s12;
	[smem:$0x7FF] =	sst s4;
	s20 =	sadd.s32 $0xCE00, s0  }
0x7: {  	s7 =	smul.u32 $0x50000, s12;
	s18 =	sadd.s32 $0x3000, s0;
	s26 =	sshll.u32 s12, $0x4  }
0x8: {  	s6 =	smul.u32 $0x2800, s2;
	_ =	strace $0x8000004A;
	s21 =	ssub.s32 $0x2, s2  }
0x9: {  	s9 =	sshll.u32 s2, $0x4;
	s25 =	sshll.u32 s2, $0x8;
	s8 =	sshrl.u32 s21, $0x1  }
0xa: {  	s7 =	sshrl.u32 s7, $0x2;
	s9 =	sor.u32 s12, s9;
	s5 =	sadd.s32 s5, s6  }
0xb: {  	s2 =	sadd.s32 s25, s20;
	s8 =	ssub.s32 s21, s8;
	s5 =	sshll.u32 s5, $0x4  }
0xc: {  	s21 =	simm.s32 $0x3;
	s23 =	smax.u32 s8, $0x1;
	s0 =	sadd.s32 s5, s0  }
0xd: {  	s5 =	sadd.s32 s7, s3;
	[dreg:$0x5] =	wrdreg s23;
	s7 =	sor.u32 $0x9C0, s9  }
0xe: {  	s23 =	simm.s32 $0x4;
	s22 =	sadd.s32 $0x25C00, s0;
	s8 =	sadd.s32 $0x4000, s5  }
0xf: {  	s9 =	sadd.s32 $0x8000, s5;
	s13 =	sshll.u32 s7, $0x4;
	s10 =	sadd.s32 $0xC000, s5  }
0x10: {  	s11 =	sadd.s32 $0x10000, s5;
	s24 =	sadd.s32 $0x26400, s0;
	s15 =	sadd.s32 $0x26C00, s0  }
0x11: {  	s16 =	sadd.s32 $0x27400, s0;
	s17 =	sadd.s32 $0x27C00, s0;
	s0 =	sadd.s32 s25, s18  }
0x12: {  	p0 =	sgt.u32 s7, $0x9C3;
	s25 =	simm.s32 $0x1C080;
	[dreg:$0x4] =	wrdreg s22  }
0x13: {  	s14 =	sadd.s32 s20, s13;
	s13 =	sadd.s32 s18, s13;
	[dreg:$0x8] =	wrdreg s24  }
0x14: {  	s18 =	sadd.s32 s26, s2;
	s19 =	sadd.s32 s26, s0;
	s20 =	simm.s32 $0x14000  }
0x15: {  	s22 =	simm.s32 $0x1C000;
	s24 =	simm.s32 $0x80;
	[dreg:$0x6] =	wrdreg s14  }
0x16: {  	v0 =	vimm.f32 $0.0e+00;
	s26 =	simm.s32 $0x18000;
	s2 =	simm.s32 $0x0;
	[dreg:$0x7] =	wrdreg s13  }
.LBB2_1:
0x17: {  	s0 =	simm.s32 $0x0;
	s6 =	simm.s32 $0x200  }
.LBB2_2:
0x18: {  	p1 =	sne.s32 s6, $0xFE00;
	[tilespmem:s0+$0x14070] =	vst v0  }
0x19: {  	[tilespmem:s0+$0x14000] =	vst v0  }
0x1a: {  	[tilespmem:s0+$0x14010] =	vst v0  }
.Ltmp0:
0x1b: {  	[tilespmem:s0+$0x14020] =	vst v0;
	(pc) =	sbr.rel @p1 .LBB2_2-.Ltmp0, $4  }
0x1c: {  	[tilespmem:s0+$0x14030] =	vst v0  }
0x1d: {  	[tilespmem:s0+$0x14040] =	vst v0  }
0x1e: {  	[tilespmem:s0+$0x14050] =	vst v0  }
0x1f: {  	[tilespmem:s0+$0x14060] =	vst v0;
	s0 =	sshra.s32 s6, $0x2;
	s6 =	sadd.s32 $0x200, s6  }
0x20: {  	[tilespmem:s0+$0x14070] =	vst v0  }
0x21: {  	[tilespmem:s0+$0x14000] =	vst v0  }
0x22: {  	[tilespmem:s0+$0x14010] =	vst v0  }
0x23: {  	[tilespmem:s0+$0x14020] =	vst v0  }
0x24: {  	[tilespmem:s0+$0x14030] =	vst v0  }
0x25: {  	[tilespmem:s0+$0x14040] =	vst v0  }
0x26: {  	[tilespmem:s0+$0x14050] =	vst v0  }
0x27: {  	[tilespmem:s0+$0x14060] =	vst v0  }
0x28: {  	[spmem:s5] =	stream.linear.scatter [tilespmem:s20], [sflag:$0x3], $0x4000, $0x38;
	[tilespmem:$0x1C200] =	vst v63  }
0x29: {  	_ =	swait.ge [sflag:s21], $0x4000  }
0x2a: {  	[sflag:s21] =	ssyncset.done $0x0  }
0x2b: {  	[sflag:s21] =	ssyncadd.s32 $0xFFFFC000  }
0x2c: {  	[spmem:s8] =	stream.linear.scatter [tilespmem:s20], [sflag:$0x3], $0x4000, $0x38;
	[tilespmem:$0x1C200] =	vst v63  }
0x2d: {  	_ =	swait.ge [sflag:s21], $0x4000  }
0x2e: {  	[sflag:s21] =	ssyncset.done $0x0  }
0x2f: {  	[sflag:s21] =	ssyncadd.s32 $0xFFFFC000  }
0x30: {  	[spmem:s9] =	stream.linear.scatter [tilespmem:s20], [sflag:$0x3], $0x4000, $0x38;
	[tilespmem:$0x1C200] =	vst v63  }
0x31: {  	_ =	swait.ge [sflag:s21], $0x4000  }
0x32: {  	[sflag:s21] =	ssyncset.done $0x0  }
0x33: {  	[sflag:s21] =	ssyncadd.s32 $0xFFFFC000  }
0x34: {  	[spmem:s10] =	stream.linear.scatter [tilespmem:s20], [sflag:$0x3], $0x4000, $0x38;
	[tilespmem:$0x1C200] =	vst v63  }
0x35: {  	_ =	swait.ge [sflag:s21], $0x4000  }
0x36: {  	[sflag:s21] =	ssyncset.done $0x0  }
0x37: {  	[sflag:s21] =	ssyncadd.s32 $0xFFFFC000  }
0x38: {  	[spmem:s11] =	stream.linear.scatter [tilespmem:s20], [sflag:$0x3], $0x4000, $0x38;
	[tilespmem:$0x1C200] =	vst v63  }
0x39: {  	_ =	swait.ge [sflag:s21], $0x4000  }
0x3a: {  	[sflag:s21] =	ssyncset.done $0x0  }
0x3b: {  	[sflag:s21] =	ssyncadd.s32 $0xFFFFC000  }
0x3c: {  	s13 =	sadd.s32 $0x0, s18;
	[bflag:$0x0] =	sbarrier.arrive $0xFFFF  }
0x3d: {  	[tilespmem:s22], [sflag:$0x4] =	stream.linear.gather [hbm4b:s13+s4], $0x80, $0x38;
	[tilespmem:$0x1C200] =	vst v63  }
0x3e: {  	_ =	swait.ge [sflag:s23], $0x80  }
0x3f: {  	[sflag:s23] =	ssyncset.done $0x0  }
0x40: {  	[sflag:s23] =	ssyncadd.s32 $0xFFFFFF80  }
0x41: {  	[tilespmem:s20], [sflag:$0x1] =	stream.indirect.gather [hbm4b:s1+s24], $0x80, s22, s24, $0xb8;
	[tilespmem:$0x1C200] =	vst v63  }
0x42: {  	s0 =	sadd.s32 $0x200, s13  }
0x43: {  	[tilespmem:s25], [sflag:$0x4] =	stream.linear.gather [hbm4b:s0+s4], $0x80, $0x38;
	[tilespmem:$0x1C200] =	vst v63  }
0x44: {  	_ =	swait.ge [sflag:s23], $0x80  }
0x45: {  	[sflag:s23] =	ssyncset.done $0x0  }
0x46: {  	[sflag:s23] =	ssyncadd.s32 $0xFFFFFF80  }
0x47: {  	[tilespmem:s26], [sflag:$0x2] =	stream.indirect.gather [hbm4b:s1+s24], $0x80, s25, s24, $0xb8;
	[tilespmem:$0x1C200] =	vst v63  }
0x48: {  	s14 =	sadd.s32 $0x0, s19  }
0x49: {  	[tilespmem:s28], [sflag:$0x4] =	stream.linear.gather [hbm4b:s14+s4], $0x80, $0x38;
	[tilespmem:$0x1C200] =	vst v63  }
0x4a: {  	_ =	swait.ge [sflag:s23], $0x80  }
0x4b: {  	[sflag:s23] =	ssyncset.done $0x0  }
0x4c: {  	[sflag:s23] =	ssyncadd.s32 $0xFFFFFF80  }
0x4d: {  	_ =	swait.ge [sflag:s29], $0x4000  }
0x4e: {  	[sflag:s29] =	ssyncset.done $0x0  }
0x4f: {  	[sflag:s29] =	ssyncadd.s32 $0xFFFFC000  }
0x50: {  	[spmem:s3] =	stream.indirect.scatter.add.f32 [tilespmem:s20], [sflag:$0x4], $0x80, s28, s24, $0xb8;
	[tilespmem:$0x1C200] =	vst v63  }
0x51: {  	_ =	swait.ge [sflag:s23], $0x4000  }
0x52: {  	[sflag:s23] =	ssyncset.done $0x0  }
0x53: {  	s0 =	sadd.s32 $0x200, s14;
	[sflag:s23] =	ssyncadd.s32 $0xFFFFC000  }
0x54: {  	[tilespmem:s30], [sflag:$0x4] =	stream.linear.gather [hbm4b:s0+s4], $0x80, $0x38;
	[tilespmem:$0x1C200] =	vst v63  }
0x55: {  	_ =	swait.ge [sflag:s23], $0x80  }
0x56: {  	[sflag:s23] =	ssyncset.done $0x0  }
0x57: {  	[sflag:s23] =	ssyncadd.s32 $0xFFFFFF80  }
0x58: {  	_ =	swait.ge [sflag:s31], $0x4000  }
0x59: {  	[sflag:s31] =	ssyncset.done $0x0  }
0x5a: {  	[sflag:s31] =	ssyncadd.s32 $0xFFFFC000  }
0x5b: {  	[spmem:s3] =	stream.indirect.scatter.add.f32 [tilespmem:s26], [sflag:$0x3], $0x80, s30, s24, $0xb8;
	[tilespmem:$0x1C200] =	vst v63  }
0x5c: {  	_ =	swait.ge [sflag:s21], $0x4000  }
0x5d: {  	s6 =	simm.s32 $0x800;
	s0 =	simm.s32 $0x400;
	[sflag:s21] =	ssyncset.done $0x0  }
.LBB2_4:
0x5e: {  	s12 =	sadd.s32 s0, s18  }
0x5f: {  	[sflag:s21] =	ssyncadd.s32 $0xFFFFC000;
	s13 =	smov.u32 s6;
	s7 =	sadd.s32 $0x400, s6  }
0x60: {  	[tilespmem:s22], [sflag:$0x4] =	stream.linear.gather [hbm4b:s12+s4], $0x80, $0x38;
	[tilespmem:$0x1C200] =	vst v63  }
0x61: {  	p1 =	sne.s32 s6, $0x9800;
	_ =	swait.ge [sflag:s23], $0x80  }
0x62: {  	[sflag:s23] =	ssyncset.done $0x0  }
0x63: {  	[sflag:s23] =	ssyncadd.s32 $0xFFFFFF80  }
0x64: {  	[tilespmem:s20], [sflag:$0x1] =	stream.indirect.gather [hbm4b:s1+s24], $0x80, s22, s24, $0xb8;
	[tilespmem:$0x1C200] =	vst v63  }
0x65: {  	s6 =	sadd.s32 $0x200, s12  }
0x66: {  	[tilespmem:s25], [sflag:$0x4] =	stream.linear.gather [hbm4b:s6+s4], $0x80, $0x38;
	[tilespmem:$0x1C200] =	vst v63  }
0x67: {  	_ =	swait.ge [sflag:s23], $0x80  }
0x68: {  	[sflag:s23] =	ssyncset.done $0x0  }
0x69: {  	[sflag:s23] =	ssyncadd.s32 $0xFFFFFF80  }
0x6a: {  	[tilespmem:s26], [sflag:$0x2] =	stream.indirect.gather [hbm4b:s1+s24], $0x80, s25, s24, $0xb8;
	[tilespmem:$0x1C200] =	vst v63  }
0x6b: {  	s6 =	sadd.s32 s0, s19;
	s0 =	smov.u32 s13  }
0x6c: {  	[tilespmem:s28], [sflag:$0x4] =	stream.linear.gather [hbm4b:s6+s4], $0x80, $0x38;
	[tilespmem:$0x1C200] =	vst v63  }
0x6d: {  	_ =	swait.ge [sflag:s23], $0x80  }
0x6e: {  	[sflag:s23] =	ssyncset.done $0x0  }
0x6f: {  	[sflag:s23] =	ssyncadd.s32 $0xFFFFFF80  }
0x70: {  	_ =	swait.ge [sflag:s29], $0x4000  }
0x71: {  	[sflag:s29] =	ssyncset.done $0x0  }
0x72: {  	[sflag:s29] =	ssyncadd.s32 $0xFFFFC000  }
0x73: {  	[spmem:s3] =	stream.indirect.scatter.add.f32 [tilespmem:s20], [sflag:$0x4], $0x80, s28, s24, $0xb8;
	[tilespmem:$0x1C200] =	vst v63  }
0x74: {  	_ =	swait.ge [sflag:s23], $0x4000  }
0x75: {  	[sflag:s23] =	ssyncset.done $0x0  }
0x76: {  	s6 =	sadd.s32 $0x200, s6;
	[sflag:s23] =	ssyncadd.s32 $0xFFFFC000  }
0x77: {  	[tilespmem:s30], [sflag:$0x4] =	stream.linear.gather [hbm4b:s6+s4], $0x80, $0x38;
	[tilespmem:$0x1C200] =	vst v63  }
0x78: {  	_ =	swait.ge [sflag:s23], $0x80  }
0x79: {  	[sflag:s23] =	ssyncset.done $0x0  }
0x7a: {  	[sflag:s23] =	ssyncadd.s32 $0xFFFFFF80  }
0x7b: {  	_ =	swait.ge [sflag:s31], $0x4000  }
.Ltmp1:
0x7c: {  	[sflag:s31] =	ssyncset.done $0x0;
	(pc) =	sbr.rel @p1 .LBB2_4-.Ltmp1, $4  }
0x7d: {  	[sflag:s31] =	ssyncadd.s32 $0xFFFFC000  }
0x7e: {  	[spmem:s3] =	stream.indirect.scatter.add.f32 [tilespmem:s26], [sflag:$0x3], $0x80, s30, s24, $0xb8;
	[tilespmem:$0x1C200] =	vst v63  }
0x7f: {  	_ =	swait.ge [sflag:s21], $0x4000  }
0x80: {  	s6 =	smov.u32 s7;
	[sflag:s21] =	ssyncset.done $0x0  }
0x81: {  	s6 =	sadd.s32 s0, s18;
	[sflag:s21] =	ssyncadd.s32 $0xFFFFC000  }
0x82: {  	[tilespmem:s22], [sflag:$0x4] =	stream.linear.gather [hbm4b:s6+s4], $0x80, $0x38;
	[tilespmem:$0x1C200] =	vst v63  }
0x83: {  	_ =	swait.ge [sflag:s23], $0x80  }
0x84: {  	[sflag:s23] =	ssyncset.done $0x0  }
0x85: {  	[sflag:s23] =	ssyncadd.s32 $0xFFFFFF80  }
0x86: {  	[tilespmem:s20], [sflag:$0x1] =	stream.indirect.gather [hbm4b:s1+s24], $0x80, s22, s24, $0xb8;
	[tilespmem:$0x1C200] =	vst v63  }
0x87: {  	s6 =	sadd.s32 $0x200, s6  }
0x88: {  	[tilespmem:s25], [sflag:$0x4] =	stream.linear.gather [hbm4b:s6+s4], $0x80, $0x38;
	[tilespmem:$0x1C200] =	vst v63  }
0x89: {  	_ =	swait.ge [sflag:s23], $0x80  }
0x8a: {  	[sflag:s23] =	ssyncset.done $0x0  }
0x8b: {  	[sflag:s23] =	ssyncadd.s32 $0xFFFFFF80  }
0x8c: {  	[tilespmem:s26], [sflag:$0x2] =	stream.indirect.gather [hbm4b:s1+s24], $0x80, s25, s24, $0xb8;
	[tilespmem:$0x1C200] =	vst v63  }
0x8d: {  	s14 =	sadd.s32 s0, s19  }
0x8e: {  	[tilespmem:s28], [sflag:$0x4] =	stream.linear.gather [hbm4b:s14+s4], $0x80, $0x38;
	[tilespmem:$0x1C200] =	vst v63  }
0x8f: {  	_ =	swait.ge [sflag:s23], $0x80  }
0x90: {  	[sflag:s23] =	ssyncset.done $0x0  }
0x91: {  	[sflag:s23] =	ssyncadd.s32 $0xFFFFFF80  }
0x92: {  	_ =	swait.ge [sflag:s29], $0x4000  }
0x93: {  	[sflag:s29] =	ssyncset.done $0x0  }
0x94: {  	[sflag:s29] =	ssyncadd.s32 $0xFFFFC000  }
0x95: {  	[spmem:s3] =	stream.indirect.scatter.add.f32 [tilespmem:s20], [sflag:$0x4], $0x80, s28, s24, $0xb8;
	[tilespmem:$0x1C200] =	vst v63  }
0x96: {  	_ =	swait.ge [sflag:s23], $0x4000  }
0x97: {  	[sflag:s23] =	ssyncset.done $0x0  }
0x98: {  	s0 =	sadd.s32 $0x200, s14;
	[sflag:s23] =	ssyncadd.s32 $0xFFFFC000  }
0x99: {  	[tilespmem:s30], [sflag:$0x4] =	stream.linear.gather [hbm4b:s0+s4], $0x80, $0x38;
	[tilespmem:$0x1C200] =	vst v63  }
0x9a: {  	_ =	swait.ge [sflag:s23], $0x80  }
0x9b: {  	[sflag:s23] =	ssyncset.done $0x0  }
0x9c: {  	[sflag:s23] =	ssyncadd.s32 $0xFFFFFF80  }
0x9d: {  	_ =	swait.ge [sflag:s31], $0x4000  }
0x9e: {  	[sflag:s31] =	ssyncset.done $0x0  }
0x9f: {  	[sflag:s31] =	ssyncadd.s32 $0xFFFFC000  }
0xa0: {  	[spmem:s3] =	stream.indirect.scatter.add.f32 [tilespmem:s26], [sflag:$0x3], $0x80, s30, s24, $0xb8;
	[tilespmem:$0x1C200] =	vst v63  }
0xa1: {  	_ =	swait.ge [sflag:s21], $0x4000  }
0xa2: {  	s6 =	simm.s32 @!p0 $0x1C000;
	[sflag:s21] =	ssyncset.done $0x0  }
0xa3: {  	s0 =	simm.s32 @!p0 $0x0;
	s7 =	rddreg [dreg:$0x6];
	[sflag:s21] =	ssyncadd.s32 $0xFFFFC000  }
0xa4: {  	[tilespmem:s6], [sflag:$0x4] =	stream.linear.gather @!p0 [hbm4b:s7+s0], $0x80, $0x38;
	[tilespmem:$0x1C200] =	vst v63  }
0xa5: {  	s7 =	simm.s32 @!p0 $0x4  }
0xa6: {  	_ =	swait.ge @!p0 [sflag:s7], $0x80  }
0xa7: {  	[sflag:s7] =	ssyncset.done @!p0 $0x0  }
0xa8: {  	s12 =	simm.s32 @!p0 $0x80;
	s13 =	simm.s32 @!p0 $0x14000;
	[sflag:s7] =	ssyncadd.s32 @!p0 $0xFFFFFF80  }
0xa9: {  	[tilespmem:s13], [sflag:$0x1] =	stream.indirect.gather @!p0 [hbm4b:s1+s12], $0x80, s6, s12, $0xb8;
	[tilespmem:$0x1C200] =	vst v63  }
0xaa: {  	s14 =	rddreg [dreg:$0x7];
	s6 =	simm.s32 @!p0 $0x1C100  }
0xab: {  	[tilespmem:s6], [sflag:$0x4] =	stream.linear.gather @!p0 [hbm4b:s14+s0], $0x80, $0x38;
	[tilespmem:$0x1C200] =	vst v63  }
0xac: {  	_ =	swait.ge @!p0 [sflag:s7], $0x80  }
0xad: {  	[sflag:s7] =	ssyncset.done @!p0 $0x0  }
0xae: {  	s0 =	simm.s32 @!p0 $0x1;
	[sflag:s7] =	ssyncadd.s32 @!p0 $0xFFFFFF80  }
0xaf: {  	_ =	swait.ge @!p0 [sflag:s0], $0x4000  }
0xb0: {  	[sflag:s0] =	ssyncset.done @!p0 $0x0  }
0xb1: {  	[sflag:s0] =	ssyncadd.s32 @!p0 $0xFFFFC000  }
0xb2: {  	[spmem:s3] =	stream.indirect.scatter.add.f32 @!p0 [tilespmem:s13], [sflag:$0x4], $0x80, s6, s12, $0xb8;
	[tilespmem:$0x1C200] =	vst v63  }
0xb3: {  	_ =	swait.ge @!p0 [sflag:s7], $0x4000  }
0xb4: {  	[sflag:s7] =	ssyncset.done @!p0 $0x0  }
0xb5: {  	s6 =	stileid.u32;
	[sflag:s7] =	ssyncadd.s32 @!p0 $0xFFFFC000  }
0xb6: {  	s0 =	sshll.u32 s6, $0x6;
	[bflag:$0x0] =	sbarrier.arrive $0xFFFF  }
0xb7: {  	s0 =	sor.u32 $0x1C03, s0;
	s7 =	sshrl.u32 s5, $0x3;
	s12 =	rddreg [dreg:$0x4]  }
0xb8: {  	[hbm:s12], [sflag:s0] =	dma.local [spmem:s7], $0x800  }
0xb9: {  	_ =	swait.ge [sflag:s21], $0x800  }
0xba: {  	[sflag:s21] =	ssyncset.done $0x0  }
0xbb: {  	s13 =	sshrl.u32 s8, $0x3;
	s14 =	rddreg [dreg:$0x8];
	[sflag:s21] =	ssyncadd.s32 $0xFFFFF800  }
0xbc: {  	[hbm:s14], [sflag:s0] =	dma.local [spmem:s13], $0x800  }
0xbd: {  	_ =	swait.ge [sflag:s21], $0x800  }
0xbe: {  	[sflag:s21] =	ssyncset.done $0x0  }
0xbf: {  	s7 =	sshrl.u32 s9, $0x3;
	[sflag:s21] =	ssyncadd.s32 $0xFFFFF800  }
0xc0: {  	[hbm:s15], [sflag:s0] =	dma.local [spmem:s7], $0x800  }
0xc1: {  	_ =	swait.ge [sflag:s21], $0x800  }
0xc2: {  	[sflag:s21] =	ssyncset.done $0x0  }
0xc3: {  	s12 =	sshrl.u32 s10, $0x3;
	[sflag:s21] =	ssyncadd.s32 $0xFFFFF800  }
0xc4: {  	[hbm:s16], [sflag:s0] =	dma.local [spmem:s12], $0x800  }
0xc5: {  	_ =	swait.ge [sflag:s21], $0x800  }
0xc6: {  	[sflag:s21] =	ssyncset.done $0x0  }
0xc7: {  	s13 =	sshrl.u32 s11, $0x3;
	[sflag:s21] =	ssyncadd.s32 $0xFFFFF800  }
0xc8: {  	[hbm:s17], [sflag:s0] =	dma.local [spmem:s13], $0x800  }
0xc9: {  	_ =	swait.ge [sflag:s21], $0x800  }
0xca: {  	s2 =	sadd.s32 $0x1, s2;
	s14 =	rddreg [dreg:$0x5]  }
0xcb: {  	p1 =	sne.s32 s2, s14  }
.Ltmp2:
0xcc: {  	_ = 	snop;
	(pc) =	sbr.rel @p1 .LBB2_1-.Ltmp2, $3  }
0xcd: {  	_ =	sdelay $0x1  }
0xce: {  	[sflag:s21] =	ssyncset.done $0x0  }
0xcf: {  	[sflag:s21] =	ssyncadd.s32 $0xFFFFF800  }
0xd0: {  	_ =	sfence.sel $0x180000  }
0xd1: {  	[bflag:$0x0] =	sbarrier.arrive $0xFFFF  }
0xd2: {  	_ =	strace $0x9000004A  }
0xd3: {  	s0 =	stileid.u32;
	[bflag:$0x2] =	sbarrier.arrive $0xFFFF  }
0xd4: {  	p0 =	sne.s32 s0, $0x0;
	s0 =	rddreg [dreg:$0x3]  }
0xd5: {  	s0 =	sadd.s32 @!p0 $0x100000, s0  }
0xd6: {  	[sflag:s0] =	ssyncadd.tile.s32 @!p0 $0x1;
	_ =	shalt  }
.Lfunc_end2:
_tile_overlayer_lowered:
.L_overlay_start_2:
0xd7: {  	(tag) =	ssettag $0x2  }
0xd8: {  	s0 =	rddreg [dreg:$0x0];
	s2 =	stileid.u32  }
0xd9: {  	s1 =	rddreg [dreg:$0x1];
	p0 =	sne.s32 s2, $0x0  }
0xda: {  	s3 =	rddreg [dreg:$0x2];
	[bflag:$0x3] =	sbarrier.arrive $0xFFFF;
	s2 =	simm.s32 @!p0 $0x1C03  }
0xdb: {  	[timem:s3], [sflag:s2] =	dma.local @!p0 [hbm:s0], s1  }
0xdc: {  	s0 =	simm.s32 @!p0 $0x3  }
0xdd: {  	_ =	swait.ge @!p0 [sflag:s0], s1  }
0xde: {  	s1 =	ssub.s32 @!p0 $0x0, s1;
	[sflag:s0] =	ssyncset.done @!p0 $0x0  }
0xdf: {  	[sflag:s0] =	ssyncadd.s32 @!p0 s1  }
0xe0: {  	[bflag:$0x3] =	sbarrier.arrive $0xFFFF  }
0xe1: {  	_ =	shalt  }

// kernel: kernel.17.cloned.1.call-start
scs
__scs_entry_jumppad:
0x0: {  	(pc) =	sbr.rel $0x88, $3  }
0x1: {  	(tag) =	ssettag $0x0;
	lr =	simm.s32 $0x1  }
0x2: {  	[smem:$0x3F92] =	sst lr;
	_ =	strace $0xD0000000  }
0x3: {  	_ = 	snop  }
0x4: {  	_ = 	snop  }
0x5: {  	_ = 	snop  }
0x6: {  	_ = 	snop  }
0x7: {  	_ = 	snop  }
__scs_overlays_trampoline_lowered:
0x8: {  	[smem:$0x3FA1] =	sst s0  }
0x9: {  	[smem:$0x3FA2] =	sst s1  }
0xa: {  	[smem:$0x3FA3] =	sst s2  }
0xb: {  	[smem:$0x3FA4] =	sst s3  }
0xc: {  	[smem:$0x3FA5] =	sst s4  }
0xd: {  	[smem:$0x3FA6] =	sst s5  }
0xe: {  	[smem:$0x3FA7] =	sst s6  }
0xf: {  	[smem:$0x3FA8] =	sst s7  }
0x10: {  	[smem:$0x3FA9] =	sst s8  }
0x11: {  	[smem:$0x3FAA] =	sst s9;
	s0 =	simm.s32 @!p0 $0x0  }
0x12: {  	s1 =	sld [smem:$0x3F90];
	s0 =	simm.s32 @p0 $0x1  }
0x13: {  	[smem:$0x3FAB] =	sst s0;
	s0 =	simm.s32 @!p1 $0x0  }
0x14: {  	s2 =	sld [smem:$0x3F8F];
	s0 =	simm.s32 @p1 $0x1  }
0x15: {  	[smem:$0x3FAC] =	sst s0;
	s0 =	simm.s32 @!p2 $0x0  }
0x16: {  	s3 =	sld [smem:$0x3FDB];
	s0 =	simm.s32 @p2 $0x1  }
0x17: {  	s4 =	simm.s32 $0x1BF5;
	[smem:$0x3FAE] =	sst s0  }
0x18: {  	s0 =	sld [smem:$0x3F91];
	_ =	swait.ge [sflag:s4], $0x0  }
0x19: {  	s7 =	sld [smem:$0x3F92]  }
0x1a: {  	s8 =	sadd.s32 $0xFFFFE003, lr  }
0x1b: {  	s9 =	sadd.s32 $0xFFFFFEF7, lr;
	s5 =	simm.s32 $0xFFFFFFFF;
	p2 =	slt.u32 s8, $0xFFFFF086  }
0x1c: {  	p1 =	slt.u32 s9, $0xF7A;
	s5 =	simm.s32 @!p2 $0x0  }
0x1d: {  	s5 =	simm.s32 @p1 $0x1;
	p0 =	seq.s32 s7, s2  }
0x1e: {  	s7 =	smul.u32 @!p0 $0xF7A, s2;
	p2 =	seq.s32 @!p0 s5, $0x0  }
0x1f: {  	s9 =	smul.u32 $0xF7A, s1;
	s8 =	simm.s32 @!p0 $0x1BF5;
	p2 =	por !p2, p0  }
0x20: {  	[sflag:s8] =	ssyncset.s32 @!p0 $0xFFFFF086;
	s6 =	sadd.s32 @!p0 s3, s7;
	s7 =	simm.s32 @!p0 $0x108  }
0x21: {  	s3 =	sadd.s32 s3, s9;
	s6 =	sadd.s32 @!p0 $0x88, s6;
	s7 =	simm.s32 @p2 $0x1082  }
0x22: {  	[simem:s7], [sflag:s8] =	dma.local @!p0 [hbm:s6], $0xF7A  }
0x23: {  	s9 =	sor.u32 $0xD0000000, s2;
	s6 =	simm.s32 $0x108;
	_ =	swait.ge @!p0 [sflag:s8], $0x0  }
0x24: {  	s3 =	sadd.s32 $0x88, s3;
	s6 =	simm.s32 @!p1 $0x1082;
	[sflag:s4] =	ssyncset.s32 $0xFFFFF086  }
0x25: {  	[simem:s6], [sflag:s4] =	dma.local [hbm:s3], $0xF7A  }
0x26: {  	[smem:$0x3F92] =	sst s1;
	(tag) =	ssettag s2;
	_ =	strace s9  }
0x27: {  	s1 =	sld [smem:$0x3FA2]  }
0x28: {  	s2 =	sld [smem:$0x3FA3]  }
0x29: {  	s4 =	sld [smem:$0x3FA5]  }
0x2a: {  	p0 =	seq.s32 s5, $0x0;
	s5 =	sld [smem:$0x3FA6]  }
0x2b: {  	s6 =	sld [smem:$0x3FA7]  }
0x2c: {  	s7 =	sld [smem:$0x3FA8]  }
0x2d: {  	s3 =	simm.s32 $0x108;
	s8 =	sld [smem:$0x3FA9]  }
0x2e: {  	s3 =	simm.s32 @!p0 $0x1082;
	s9 =	sld [smem:$0x3FAA]  }
0x2f: {  	lr =	sadd.s32 s0, s3;
	s0 =	sld [smem:$0x3FA1]  }
0x30: {  	s3 =	sld [smem:$0x3FA4]  }
0x31: {  	[smem:$0x3FAD] =	sst s10  }
0x32: {  	s10 =	sld [smem:$0x3FAB];
	_ =	sdelay $0x3  }
0x33: {  	p0 =	seq.s32 s10, $0x1;
	s10 =	sld [smem:$0x3FAD];
	_ =	sdelay $0x3  }
0x34: {  	[smem:$0x3FAD] =	sst s10  }
0x35: {  	s10 =	sld [smem:$0x3FAC];
	_ =	sdelay $0x3  }
0x36: {  	p1 =	seq.s32 s10, $0x1;
	s10 =	sld [smem:$0x3FAD];
	_ =	sdelay $0x3  }
0x37: {  	[smem:$0x3FAD] =	sst s10  }
0x38: {  	s10 =	sld [smem:$0x3FAE]  }
0x39: {  	_ = 	snop;
	(pc) =	sbr.ind lr, $3  }
0x3a: {  	_ = 	snop  }
0x3b: {  	_ = 	snop  }
0x3c: {  	p2 =	seq.s32 s10, $0x1;
	s10 =	sld [smem:$0x3FAD]  }
0x3d: {  	_ =	shalt  }
0x3e: {  	_ =	shalt  }
0x3f: {  	_ =	shalt  }
0x40: {  	_ =	shalt  }
0x41: {  	_ =	shalt  }
0x42: {  	_ =	shalt  }
0x43: {  	_ =	shalt  }
0x44: {  	_ =	shalt  }
0x45: {  	_ =	shalt  }
0x46: {  	_ =	shalt  }
0x47: {  	_ =	shalt  }
0x48: {  	_ =	shalt  }
0x49: {  	_ =	shalt  }
0x4a: {  	_ =	shalt  }
0x4b: {  	_ =	shalt  }
0x4c: {  	_ =	shalt  }
0x4d: {  	_ =	shalt  }
0x4e: {  	_ =	shalt  }
0x4f: {  	_ =	shalt  }
0x50: {  	_ =	shalt  }
0x51: {  	_ =	shalt  }
0x52: {  	_ =	shalt  }
0x53: {  	_ =	shalt  }
0x54: {  	_ =	shalt  }
0x55: {  	_ =	shalt  }
0x56: {  	_ =	shalt  }
0x57: {  	_ =	shalt  }
0x58: {  	_ =	shalt  }
0x59: {  	_ =	shalt  }
0x5a: {  	_ =	shalt  }
0x5b: {  	_ =	shalt  }
0x5c: {  	_ =	shalt  }
0x5d: {  	_ =	shalt  }
0x5e: {  	_ =	shalt  }
0x5f: {  	_ =	shalt  }
0x60: {  	_ =	shalt  }
0x61: {  	_ =	shalt  }
0x62: {  	_ =	shalt  }
0x63: {  	_ =	shalt  }
0x64: {  	_ =	shalt  }
0x65: {  	_ =	shalt  }
0x66: {  	_ =	shalt  }
0x67: {  	_ =	shalt  }
0x68: {  	_ =	shalt  }
0x69: {  	_ =	shalt  }
0x6a: {  	_ =	shalt  }
0x6b: {  	_ =	shalt  }
0x6c: {  	_ =	shalt  }
0x6d: {  	_ =	shalt  }
0x6e: {  	_ =	shalt  }
0x6f: {  	_ =	shalt  }
0x70: {  	_ =	shalt  }
0x71: {  	_ =	shalt  }
0x72: {  	_ =	shalt  }
0x73: {  	_ =	shalt  }
0x74: {  	_ =	shalt  }
0x75: {  	_ =	shalt  }
0x76: {  	_ =	shalt  }
0x77: {  	_ =	shalt  }
0x78: {  	_ =	shalt  }
0x79: {  	_ =	shalt  }
0x7a: {  	_ =	shalt  }
0x7b: {  	_ =	shalt  }
0x7c: {  	_ =	shalt  }
0x7d: {  	_ =	shalt  }
0x7e: {  	_ =	shalt  }
0x7f: {  	_ =	shalt  }
0x80: {  	_ =	shalt  }
0x81: {  	_ =	shalt  }
0x82: {  	_ =	shalt  }
0x83: {  	_ =	shalt  }
0x84: {  	_ =	shalt  }
0x85: {  	_ =	shalt  }
0x86: {  	_ =	shalt  }
0x87: {  	_ =	shalt  }
.Lfunc_end0:
.L_simem_size_0:
called_computation.2_lowered:
.L_overlay_start_0:
0x88: {  	s2 =	sld [smem:$0x3FD9]  }
0x89: {  	s3 =	sld [smem:$0x3FFE];
	_ =	sdelay $0x1  }
0x8a: {  	s1 =	srdreg.scid  }
0x8b: {  	s0 =	sand.u32 $0x1, s1  }
0x8c: {  	s17 =	sshll.u32 s0, $0xA;
	s2 =	sadd.s32 s3, s2  }
0x8d: {  	s2 =	sadd.s32 s2, s17  }
0x8e: {  	[smem:$0x3FB9] =	sst s2  }
0x8f: {  	_ = 	snop  }
0x90: {  	s2 =	sld [smem:$0x3FD0];
	(tm) =	ssettm $0x1  }
0x91: {  	s18 =	sld [smem:$0x3FFB];
	_ =	sdelay $0x3  }
0x92: {  	_ =	strace s18  }
0x93: {  	s3 =	sld [smem:$0x3FFC];
	_ =	sdelay $0x3  }
0x94: {  	_ =	strace s3  }
0x95: {  	s3 =	sld [smem:$0x3FFD];
	_ =	sdelay $0x3  }
0x96: {  	_ =	strace s3  }
0x97: {  	_ =	strace $0x8FFFFFFF  }
0x98: {  	s19 =	sld [smem:$0x3FDB];
	_ =	sdelay $0x1  }
0x99: {  	s4 =	simm.s32 $_scs_section_size  }
0x9a: {  	s5 =	simm.s32 $_size__tile_overlayer_lowered;
	s6 =	simm.s32 $_tile_overlayer_lowered  }
0x9b: {  	s22 =	simm.s32 $0x1BFF;
	s21 =	sshll.u32 s6, $0x1;
	s3 =	sadd.s32 s4, s19  }
0x9c: {  	s7 =	simm.s32 $0x0;
	s20 =	sshll.u32 s5, $0x1;
	s5 =	sadd.s32 s21, s3  }
0x9d: {  	[timem:s7], [sflag:s22] =	dma.local [hbm:s5], s20  }
0x9e: {  	_ =	swait.ge [sflag:s22], s20  }
0x9f: {  	s4 =	ssub.s32 $0x0, s20;
	[sflag:s22] =	ssyncset.done $0x0  }
0xa0: {  	[sflag:s22] =	ssyncadd.s32 s4;
	_ =	sdelay $0x1  }
0xa1: {  	s23 =	simm.s32 $0x1B8B  }
0xa2: {  	_ =	swait.ge [sflag:s23], $0x1  }
0xa3: {  	[sflag:s23] =	ssyncset.done $0x0  }
0xa4: {  	s25 =	simm.s32 $0x1B8E;
	s24 =	sld [smem:$0x3FFE];
	[sflag:s23] =	ssyncadd.s32 $0xFFFFFFFF  }
0xa5: {  	s26 =	simm.s32 $execute0_lowered;
	[smem:$0x3FD2] =	sst s25  }
0xa6: {  	s5 =	sshll.u32 s26, $0x1;
	_ =	strace $0x8000004C;
	[dreg:$0x1] =	wrdreg $0xFFFFFFFF  }
0xa7: {  	s28 =	simm.s32 $_size_execute0_lowered;
	s3 =	sadd.s32 s3, s5;
	[dreg:$0x0] =	wrdreg $0x0  }
0xa8: {  	s5 =	sshll.u32 s28, $0x1;
	[dreg:$0x2] =	wrdreg s3  }
0xa9: {  	[dreg:$0x3] =	wrdreg s5  }
0xaa: {  	[dreg:$0x4] =	wrdreg $0xC0  }
0xab: {  	_ =	task [dreg:s7], $0x5FFFF  }
0xac: {  	[dreg:$0x1] =	wrdreg $0xFFFFFFFF  }
0xad: {  	[dreg:$0x0] =	wrdreg $0x60  }
0xae: {  	[dreg:$0x2] =	wrdreg s2  }
0xaf: {  	[dreg:$0x3] =	wrdreg s24  }
0xb0: {  	[dreg:$0x4] =	wrdreg $0x0  }
0xb1: {  	[dreg:$0x5] =	wrdreg $0x9  }
0xb2: {  	_ =	task.clear_ibuf [dreg:s7], $0x6FFFF;
	_ =	strace $0x9000004C  }
0xb3: {  	s29 =	simm.s32 $0x9;
	_ =	strace $0x8000004E  }
0xb4: {  	_ =	swait.ge [sflag:s29], $0x1  }
0xb5: {  	[sflag:s29] =	ssyncadd.s32 $0xFFFFFFFF  }
0xb6: {  	_ =	strace $0x9000004E  }
0xb7: {  	_ =	sfence  }
0xb8: {  	s30 =	sld [smem:$0x0];
	_ =	sdelay $0x2  }
0xb9: {  	s31 =	sshll.u32 s1, $0xD;
	s1 =	sshrl.u32 s1, $0x2  }
0xba: {  	s3 =	sand.u32 $0x4000, s31;
	s1 =	sadd.s32 s1, s30  }
0xbb: {  	s0 =	sor.u32 s3, s0;
	s1 =	sshll.u32 s1, $0x11  }
0xbc: {  	s0 =	sor.u32 s1, s0  }
0xbd: {  	s0 =	sadd.s32 $0x8F2B, s0  }
0xbe: {  	[sflag:s0] =	ssyncadd.remote.s32 $0x1  }
0xbf: {  	_ =	sfence.sel $0xFFFF  }
0xc0: {  	[dreg:$0x0] =	wrdreg $0xFFFFFFFF;
	(pc) =	sbr.abs _section_cstart, $3  }
0xc1: {  	[dreg:$0x1] =	wrdreg $0xFFFFFFFF  }
0xc2: {  	_ =	task.clear_ibuf [dreg:s7], $0x2FFFF;
	_ =	strace $0x9FFFFFFF  }
0xc3: {  	(tm) =	ssettm $0x7FFFFFFF  }
tec
execute0_lowered:
.L_overlay_start_1:
0x0: {  	(tag) =	ssettag $0x1  }
0x1: {  	s1 =	rddreg [dreg:$0x0]  }
0x2: {  	s0 =	rddreg [dreg:$0x1];
	s2 =	srdreg.scid  }
0x3: {  	s12 =	stileid.u32;
	s3 =	rddreg [dreg:$0x2]  }
0x4: {  	s4 =	simm.s32 $0x0;
	s28 =	simm.s32 $0x1C100;
	s29 =	simm.s32 $0x1  }
0x5: {  	s30 =	simm.s32 $0x1C180;
	s31 =	simm.s32 $0x2;
	s2 =	sand.u32 $0x1, s2  }
0x6: {  	s5 =	smul.u32 $0x280, s12;
	[smem:$0x7FF] =	sst s4;
	s20 =	sadd.s32 $0xCE00, s0  }
0x7: {  	s7 =	smul.u32 $0x50000, s12;
	s18 =	sadd.s32 $0x3000, s0;
	s26 =	sshll.u32 s12, $0x4  }
0x8: {  	s6 =	smul.u32 $0x2800, s2;
	_ =	strace $0x8000004D;
	s21 =	ssub.s32 $0x2, s2  }
0x9: {  	s9 =	sshll.u32 s2, $0x4;
	s25 =	sshll.u32 s2, $0x8;
	s8 =	sshrl.u32 s21, $0x1  }
0xa: {  	s7 =	sshrl.u32 s7, $0x2;
	s9 =	sor.u32 s12, s9;
	s5 =	sadd.s32 s5, s6  }
0xb: {  	s2 =	sadd.s32 s25, s20;
	s8 =	ssub.s32 s21, s8;
	s5 =	sshll.u32 s5, $0x4  }
0xc: {  	s21 =	simm.s32 $0x3;
	s23 =	smax.u32 s8, $0x1;
	s0 =	sadd.s32 s5, s0  }
0xd: {  	s5 =	sadd.s32 s7, s3;
	[dreg:$0x5] =	wrdreg s23;
	s7 =	sor.u32 $0x9C0, s9  }
0xe: {  	s23 =	simm.s32 $0x4;
	s22 =	sadd.s32 $0x16C00, s0;
	s8 =	sadd.s32 $0x4000, s5  }
0xf: {  	s9 =	sadd.s32 $0x8000, s5;
	s13 =	sshll.u32 s7, $0x4;
	s10 =	sadd.s32 $0xC000, s5  }
0x10: {  	s11 =	sadd.s32 $0x10000, s5;
	s24 =	sadd.s32 $0x17400, s0;
	s15 =	sadd.s32 $0x17C00, s0  }
0x11: {  	s16 =	sadd.s32 $0x18400, s0;
	s17 =	sadd.s32 $0x18C00, s0;
	s0 =	sadd.s32 s25, s18  }
0x12: {  	p0 =	sgt.u32 s7, $0x9C3;
	s25 =	simm.s32 $0x1C080;
	[dreg:$0x4] =	wrdreg s22  }
0x13: {  	s14 =	sadd.s32 s20, s13;
	s13 =	sadd.s32 s18, s13;
	[dreg:$0x8] =	wrdreg s24  }
0x14: {  	s18 =	sadd.s32 s26, s2;
	s19 =	sadd.s32 s26, s0;
	s20 =	simm.s32 $0x14000  }
0x15: {  	s22 =	simm.s32 $0x1C000;
	s24 =	simm.s32 $0x80;
	[dreg:$0x6] =	wrdreg s14  }
0x16: {  	v0 =	vimm.f32 $0.0e+00;
	s26 =	simm.s32 $0x18000;
	s2 =	simm.s32 $0x0;
	[dreg:$0x7] =	wrdreg s13  }
.LBB2_1:
0x17: {  	s0 =	simm.s32 $0x0;
	s6 =	simm.s32 $0x200  }
.LBB2_2:
0x18: {  	p1 =	sne.s32 s6, $0xFE00;
	[tilespmem:s0+$0x14070] =	vst v0  }
0x19: {  	[tilespmem:s0+$0x14000] =	vst v0  }
0x1a: {  	[tilespmem:s0+$0x14010] =	vst v0  }
.Ltmp0:
0x1b: {  	[tilespmem:s0+$0x14020] =	vst v0;
	(pc) =	sbr.rel @p1 .LBB2_2-.Ltmp0, $4  }
0x1c: {  	[tilespmem:s0+$0x14030] =	vst v0  }
0x1d: {  	[tilespmem:s0+$0x14040] =	vst v0  }
0x1e: {  	[tilespmem:s0+$0x14050] =	vst v0  }
0x1f: {  	[tilespmem:s0+$0x14060] =	vst v0;
	s0 =	sshra.s32 s6, $0x2;
	s6 =	sadd.s32 $0x200, s6  }
0x20: {  	[tilespmem:s0+$0x14070] =	vst v0  }
0x21: {  	[tilespmem:s0+$0x14000] =	vst v0  }
0x22: {  	[tilespmem:s0+$0x14010] =	vst v0  }
0x23: {  	[tilespmem:s0+$0x14020] =	vst v0  }
0x24: {  	[tilespmem:s0+$0x14030] =	vst v0  }
0x25: {  	[tilespmem:s0+$0x14040] =	vst v0  }
0x26: {  	[tilespmem:s0+$0x14050] =	vst v0  }
0x27: {  	[tilespmem:s0+$0x14060] =	vst v0  }
0x28: {  	[spmem:s5] =	stream.linear.scatter [tilespmem:s20], [sflag:$0x3], $0x4000, $0x38;
	[tilespmem:$0x1C200] =	vst v63  }
0x29: {  	_ =	swait.ge [sflag:s21], $0x4000  }
0x2a: {  	[sflag:s21] =	ssyncset.done $0x0  }
0x2b: {  	[sflag:s21] =	ssyncadd.s32 $0xFFFFC000  }
0x2c: {  	[spmem:s8] =	stream.linear.scatter [tilespmem:s20], [sflag:$0x3], $0x4000, $0x38;
	[tilespmem:$0x1C200] =	vst v63  }
0x2d: {  	_ =	swait.ge [sflag:s21], $0x4000  }
0x2e: {  	[sflag:s21] =	ssyncset.done $0x0  }
0x2f: {  	[sflag:s21] =	ssyncadd.s32 $0xFFFFC000  }
0x30: {  	[spmem:s9] =	stream.linear.scatter [tilespmem:s20], [sflag:$0x3], $0x4000, $0x38;
	[tilespmem:$0x1C200] =	vst v63  }
0x31: {  	_ =	swait.ge [sflag:s21], $0x4000  }
0x32: {  	[sflag:s21] =	ssyncset.done $0x0  }
0x33: {  	[sflag:s21] =	ssyncadd.s32 $0xFFFFC000  }
0x34: {  	[spmem:s10] =	stream.linear.scatter [tilespmem:s20], [sflag:$0x3], $0x4000, $0x38;
	[tilespmem:$0x1C200] =	vst v63  }
0x35: {  	_ =	swait.ge [sflag:s21], $0x4000  }
0x36: {  	[sflag:s21] =	ssyncset.done $0x0  }
0x37: {  	[sflag:s21] =	ssyncadd.s32 $0xFFFFC000  }
0x38: {  	[spmem:s11] =	stream.linear.scatter [tilespmem:s20], [sflag:$0x3], $0x4000, $0x38;
	[tilespmem:$0x1C200] =	vst v63  }
0x39: {  	_ =	swait.ge [sflag:s21], $0x4000  }
0x3a: {  	[sflag:s21] =	ssyncset.done $0x0  }
0x3b: {  	[sflag:s21] =	ssyncadd.s32 $0xFFFFC000  }
0x3c: {  	s13 =	sadd.s32 $0x0, s18;
	[bflag:$0x0] =	sbarrier.arrive $0xFFFF  }
0x3d: {  	[tilespmem:s22], [sflag:$0x4] =	stream.linear.gather [hbm4b:s13+s4], $0x80, $0x38;
	[tilespmem:$0x1C200] =	vst v63  }
0x3e: {  	_ =	swait.ge [sflag:s23], $0x80  }
0x3f: {  	[sflag:s23] =	ssyncset.done $0x0  }
0x40: {  	[sflag:s23] =	ssyncadd.s32 $0xFFFFFF80  }
0x41: {  	[tilespmem:s20], [sflag:$0x1] =	stream.indirect.gather [hbm4b:s1+s24], $0x80, s22, s24, $0xb8;
	[tilespmem:$0x1C200] =	vst v63  }
0x42: {  	s0 =	sadd.s32 $0x200, s13  }
0x43: {  	[tilespmem:s25], [sflag:$0x4] =	stream.linear.gather [hbm4b:s0+s4], $0x80, $0x38;
	[tilespmem:$0x1C200] =	vst v63  }
0x44: {  	_ =	swait.ge [sflag:s23], $0x80  }
0x45: {  	[sflag:s23] =	ssyncset.done $0x0  }
0x46: {  	[sflag:s23] =	ssyncadd.s32 $0xFFFFFF80  }
0x47: {  	[tilespmem:s26], [sflag:$0x2] =	stream.indirect.gather [hbm4b:s1+s24], $0x80, s25, s24, $0xb8;
	[tilespmem:$0x1C200] =	vst v63  }
0x48: {  	s14 =	sadd.s32 $0x0, s19  }
0x49: {  	[tilespmem:s28], [sflag:$0x4] =	stream.linear.gather [hbm4b:s14+s4], $0x80, $0x38;
	[tilespmem:$0x1C200] =	vst v63  }
0x4a: {  	_ =	swait.ge [sflag:s23], $0x80  }
0x4b: {  	[sflag:s23] =	ssyncset.done $0x0  }
0x4c: {  	[sflag:s23] =	ssyncadd.s32 $0xFFFFFF80  }
0x4d: {  	_ =	swait.ge [sflag:s29], $0x4000  }
0x4e: {  	[sflag:s29] =	ssyncset.done $0x0  }
0x4f: {  	[sflag:s29] =	ssyncadd.s32 $0xFFFFC000  }
0x50: {  	[spmem:s3] =	stream.indirect.scatter.add.f32 [tilespmem:s20], [sflag:$0x4], $0x80, s28, s24, $0xb8;
	[tilespmem:$0x1C200] =	vst v63  }
0x51: {  	_ =	swait.ge [sflag:s23], $0x4000  }
0x52: {  	[sflag:s23] =	ssyncset.done $0x0  }
0x53: {  	s0 =	sadd.s32 $0x200, s14;
	[sflag:s23] =	ssyncadd.s32 $0xFFFFC000  }
0x54: {  	[tilespmem:s30], [sflag:$0x4] =	stream.linear.gather [hbm4b:s0+s4], $0x80, $0x38;
	[tilespmem:$0x1C200] =	vst v63  }
0x55: {  	_ =	swait.ge [sflag:s23], $0x80  }
0x56: {  	[sflag:s23] =	ssyncset.done $0x0  }
0x57: {  	[sflag:s23] =	ssyncadd.s32 $0xFFFFFF80  }
0x58: {  	_ =	swait.ge [sflag:s31], $0x4000  }
0x59: {  	[sflag:s31] =	ssyncset.done $0x0  }
0x5a: {  	[sflag:s31] =	ssyncadd.s32 $0xFFFFC000  }
0x5b: {  	[spmem:s3] =	stream.indirect.scatter.add.f32 [tilespmem:s26], [sflag:$0x3], $0x80, s30, s24, $0xb8;
	[tilespmem:$0x1C200] =	vst v63  }
0x5c: {  	_ =	swait.ge [sflag:s21], $0x4000  }
0x5d: {  	s6 =	simm.s32 $0x800;
	s0 =	simm.s32 $0x400;
	[sflag:s21] =	ssyncset.done $0x0  }
.LBB2_4:
0x5e: {  	s12 =	sadd.s32 s0, s18  }
0x5f: {  	[sflag:s21] =	ssyncadd.s32 $0xFFFFC000;
	s13 =	smov.u32 s6;
	s7 =	sadd.s32 $0x400, s6  }
0x60: {  	[tilespmem:s22], [sflag:$0x4] =	stream.linear.gather [hbm4b:s12+s4], $0x80, $0x38;
	[tilespmem:$0x1C200] =	vst v63  }
0x61: {  	p1 =	sne.s32 s6, $0x9800;
	_ =	swait.ge [sflag:s23], $0x80  }
0x62: {  	[sflag:s23] =	ssyncset.done $0x0  }
0x63: {  	[sflag:s23] =	ssyncadd.s32 $0xFFFFFF80  }
0x64: {  	[tilespmem:s20], [sflag:$0x1] =	stream.indirect.gather [hbm4b:s1+s24], $0x80, s22, s24, $0xb8;
	[tilespmem:$0x1C200] =	vst v63  }
0x65: {  	s6 =	sadd.s32 $0x200, s12  }
0x66: {  	[tilespmem:s25], [sflag:$0x4] =	stream.linear.gather [hbm4b:s6+s4], $0x80, $0x38;
	[tilespmem:$0x1C200] =	vst v63  }
0x67: {  	_ =	swait.ge [sflag:s23], $0x80  }
0x68: {  	[sflag:s23] =	ssyncset.done $0x0  }
0x69: {  	[sflag:s23] =	ssyncadd.s32 $0xFFFFFF80  }
0x6a: {  	[tilespmem:s26], [sflag:$0x2] =	stream.indirect.gather [hbm4b:s1+s24], $0x80, s25, s24, $0xb8;
	[tilespmem:$0x1C200] =	vst v63  }
0x6b: {  	s6 =	sadd.s32 s0, s19;
	s0 =	smov.u32 s13  }
0x6c: {  	[tilespmem:s28], [sflag:$0x4] =	stream.linear.gather [hbm4b:s6+s4], $0x80, $0x38;
	[tilespmem:$0x1C200] =	vst v63  }
0x6d: {  	_ =	swait.ge [sflag:s23], $0x80  }
0x6e: {  	[sflag:s23] =	ssyncset.done $0x0  }
0x6f: {  	[sflag:s23] =	ssyncadd.s32 $0xFFFFFF80  }
0x70: {  	_ =	swait.ge [sflag:s29], $0x4000  }
0x71: {  	[sflag:s29] =	ssyncset.done $0x0  }
0x72: {  	[sflag:s29] =	ssyncadd.s32 $0xFFFFC000  }
0x73: {  	[spmem:s3] =	stream.indirect.scatter.add.f32 [tilespmem:s20], [sflag:$0x4], $0x80, s28, s24, $0xb8;
	[tilespmem:$0x1C200] =	vst v63  }
0x74: {  	_ =	swait.ge [sflag:s23], $0x4000  }
0x75: {  	[sflag:s23] =	ssyncset.done $0x0  }
0x76: {  	s6 =	sadd.s32 $0x200, s6;
	[sflag:s23] =	ssyncadd.s32 $0xFFFFC000  }
0x77: {  	[tilespmem:s30], [sflag:$0x4] =	stream.linear.gather [hbm4b:s6+s4], $0x80, $0x38;
	[tilespmem:$0x1C200] =	vst v63  }
0x78: {  	_ =	swait.ge [sflag:s23], $0x80  }
0x79: {  	[sflag:s23] =	ssyncset.done $0x0  }
0x7a: {  	[sflag:s23] =	ssyncadd.s32 $0xFFFFFF80  }
0x7b: {  	_ =	swait.ge [sflag:s31], $0x4000  }
.Ltmp1:
0x7c: {  	[sflag:s31] =	ssyncset.done $0x0;
	(pc) =	sbr.rel @p1 .LBB2_4-.Ltmp1, $4  }
0x7d: {  	[sflag:s31] =	ssyncadd.s32 $0xFFFFC000  }
0x7e: {  	[spmem:s3] =	stream.indirect.scatter.add.f32 [tilespmem:s26], [sflag:$0x3], $0x80, s30, s24, $0xb8;
	[tilespmem:$0x1C200] =	vst v63  }
0x7f: {  	_ =	swait.ge [sflag:s21], $0x4000  }
0x80: {  	s6 =	smov.u32 s7;
	[sflag:s21] =	ssyncset.done $0x0  }
0x81: {  	s6 =	sadd.s32 s0, s18;
	[sflag:s21] =	ssyncadd.s32 $0xFFFFC000  }
0x82: {  	[tilespmem:s22], [sflag:$0x4] =	stream.linear.gather [hbm4b:s6+s4], $0x80, $0x38;
	[tilespmem:$0x1C200] =	vst v63  }
0x83: {  	_ =	swait.ge [sflag:s23], $0x80  }
0x84: {  	[sflag:s23] =	ssyncset.done $0x0  }
0x85: {  	[sflag:s23] =	ssyncadd.s32 $0xFFFFFF80  }
0x86: {  	[tilespmem:s20], [sflag:$0x1] =	stream.indirect.gather [hbm4b:s1+s24], $0x80, s22, s24, $0xb8;
	[tilespmem:$0x1C200] =	vst v63  }
0x87: {  	s6 =	sadd.s32 $0x200, s6  }
0x88: {  	[tilespmem:s25], [sflag:$0x4] =	stream.linear.gather [hbm4b:s6+s4], $0x80, $0x38;
	[tilespmem:$0x1C200] =	vst v63  }
0x89: {  	_ =	swait.ge [sflag:s23], $0x80  }
0x8a: {  	[sflag:s23] =	ssyncset.done $0x0  }
0x8b: {  	[sflag:s23] =	ssyncadd.s32 $0xFFFFFF80  }
0x8c: {  	[tilespmem:s26], [sflag:$0x2] =	stream.indirect.gather [hbm4b:s1+s24], $0x80, s25, s24, $0xb8;
	[tilespmem:$0x1C200] =	vst v63  }
0x8d: {  	s14 =	sadd.s32 s0, s19  }
0x8e: {  	[tilespmem:s28], [sflag:$0x4] =	stream.linear.gather [hbm4b:s14+s4], $0x80, $0x38;
	[tilespmem:$0x1C200] =	vst v63  }
0x8f: {  	_ =	swait.ge [sflag:s23], $0x80  }
0x90: {  	[sflag:s23] =	ssyncset.done $0x0  }
0x91: {  	[sflag:s23] =	ssyncadd.s32 $0xFFFFFF80  }
0x92: {  	_ =	swait.ge [sflag:s29], $0x4000  }
0x93: {  	[sflag:s29] =	ssyncset.done $0x0  }
0x94: {  	[sflag:s29] =	ssyncadd.s32 $0xFFFFC000  }
0x95: {  	[spmem:s3] =	stream.indirect.scatter.add.f32 [tilespmem:s20], [sflag:$0x4], $0x80, s28, s24, $0xb8;
	[tilespmem:$0x1C200] =	vst v63  }
0x96: {  	_ =	swait.ge [sflag:s23], $0x4000  }
0x97: {  	[sflag:s23] =	ssyncset.done $0x0  }
0x98: {  	s0 =	sadd.s32 $0x200, s14;
	[sflag:s23] =	ssyncadd.s32 $0xFFFFC000  }
0x99: {  	[tilespmem:s30], [sflag:$0x4] =	stream.linear.gather [hbm4b:s0+s4], $0x80, $0x38;
	[tilespmem:$0x1C200] =	vst v63  }
0x9a: {  	_ =	swait.ge [sflag:s23], $0x80  }
0x9b: {  	[sflag:s23] =	ssyncset.done $0x0  }
0x9c: {  	[sflag:s23] =	ssyncadd.s32 $0xFFFFFF80  }
0x9d: {  	_ =	swait.ge [sflag:s31], $0x4000  }
0x9e: {  	[sflag:s31] =	ssyncset.done $0x0  }
0x9f: {  	[sflag:s31] =	ssyncadd.s32 $0xFFFFC000  }
0xa0: {  	[spmem:s3] =	stream.indirect.scatter.add.f32 [tilespmem:s26], [sflag:$0x3], $0x80, s30, s24, $0xb8;
	[tilespmem:$0x1C200] =	vst v63  }
0xa1: {  	_ =	swait.ge [sflag:s21], $0x4000  }
0xa2: {  	s6 =	simm.s32 @!p0 $0x1C000;
	[sflag:s21] =	ssyncset.done $0x0  }
0xa3: {  	s0 =	simm.s32 @!p0 $0x0;
	s7 =	rddreg [dreg:$0x6];
	[sflag:s21] =	ssyncadd.s32 $0xFFFFC000  }
0xa4: {  	[tilespmem:s6], [sflag:$0x4] =	stream.linear.gather @!p0 [hbm4b:s7+s0], $0x80, $0x38;
	[tilespmem:$0x1C200] =	vst v63  }
0xa5: {  	s7 =	simm.s32 @!p0 $0x4  }
0xa6: {  	_ =	swait.ge @!p0 [sflag:s7], $0x80  }
0xa7: {  	[sflag:s7] =	ssyncset.done @!p0 $0x0  }
0xa8: {  	s12 =	simm.s32 @!p0 $0x80;
	s13 =	simm.s32 @!p0 $0x14000;
	[sflag:s7] =	ssyncadd.s32 @!p0 $0xFFFFFF80  }
0xa9: {  	[tilespmem:s13], [sflag:$0x1] =	stream.indirect.gather @!p0 [hbm4b:s1+s12], $0x80, s6, s12, $0xb8;
	[tilespmem:$0x1C200] =	vst v63  }
0xaa: {  	s14 =	rddreg [dreg:$0x7];
	s6 =	simm.s32 @!p0 $0x1C100  }
0xab: {  	[tilespmem:s6], [sflag:$0x4] =	stream.linear.gather @!p0 [hbm4b:s14+s0], $0x80, $0x38;
	[tilespmem:$0x1C200] =	vst v63  }
0xac: {  	_ =	swait.ge @!p0 [sflag:s7], $0x80  }
0xad: {  	[sflag:s7] =	ssyncset.done @!p0 $0x0  }
0xae: {  	s0 =	simm.s32 @!p0 $0x1;
	[sflag:s7] =	ssyncadd.s32 @!p0 $0xFFFFFF80  }
0xaf: {  	_ =	swait.ge @!p0 [sflag:s0], $0x4000  }
0xb0: {  	[sflag:s0] =	ssyncset.done @!p0 $0x0  }
0xb1: {  	[sflag:s0] =	ssyncadd.s32 @!p0 $0xFFFFC000  }
0xb2: {  	[spmem:s3] =	stream.indirect.scatter.add.f32 @!p0 [tilespmem:s13], [sflag:$0x4], $0x80, s6, s12, $0xb8;
	[tilespmem:$0x1C200] =	vst v63  }
0xb3: {  	_ =	swait.ge @!p0 [sflag:s7], $0x4000  }
0xb4: {  	[sflag:s7] =	ssyncset.done @!p0 $0x0  }
0xb5: {  	s6 =	stileid.u32;
	[sflag:s7] =	ssyncadd.s32 @!p0 $0xFFFFC000  }
0xb6: {  	s0 =	sshll.u32 s6, $0x6;
	[bflag:$0x0] =	sbarrier.arrive $0xFFFF  }
0xb7: {  	s0 =	sor.u32 $0x1C03, s0;
	s7 =	sshrl.u32 s5, $0x3;
	s12 =	rddreg [dreg:$0x4]  }
0xb8: {  	[hbm:s12], [sflag:s0] =	dma.local [spmem:s7], $0x800  }
0xb9: {  	_ =	swait.ge [sflag:s21], $0x800  }
0xba: {  	[sflag:s21] =	ssyncset.done $0x0  }
0xbb: {  	s13 =	sshrl.u32 s8, $0x3;
	s14 =	rddreg [dreg:$0x8];
	[sflag:s21] =	ssyncadd.s32 $0xFFFFF800  }
0xbc: {  	[hbm:s14], [sflag:s0] =	dma.local [spmem:s13], $0x800  }
0xbd: {  	_ =	swait.ge [sflag:s21], $0x800  }
0xbe: {  	[sflag:s21] =	ssyncset.done $0x0  }
0xbf: {  	s7 =	sshrl.u32 s9, $0x3;
	[sflag:s21] =	ssyncadd.s32 $0xFFFFF800  }
0xc0: {  	[hbm:s15], [sflag:s0] =	dma.local [spmem:s7], $0x800  }
0xc1: {  	_ =	swait.ge [sflag:s21], $0x800  }
0xc2: {  	[sflag:s21] =	ssyncset.done $0x0  }
0xc3: {  	s12 =	sshrl.u32 s10, $0x3;
	[sflag:s21] =	ssyncadd.s32 $0xFFFFF800  }
0xc4: {  	[hbm:s16], [sflag:s0] =	dma.local [spmem:s12], $0x800  }
0xc5: {  	_ =	swait.ge [sflag:s21], $0x800  }
0xc6: {  	[sflag:s21] =	ssyncset.done $0x0  }
0xc7: {  	s13 =	sshrl.u32 s11, $0x3;
	[sflag:s21] =	ssyncadd.s32 $0xFFFFF800  }
0xc8: {  	[hbm:s17], [sflag:s0] =	dma.local [spmem:s13], $0x800  }
0xc9: {  	_ =	swait.ge [sflag:s21], $0x800  }
0xca: {  	s2 =	sadd.s32 $0x1, s2;
	s14 =	rddreg [dreg:$0x5]  }
0xcb: {  	p1 =	sne.s32 s2, s14  }
.Ltmp2:
0xcc: {  	_ = 	snop;
	(pc) =	sbr.rel @p1 .LBB2_1-.Ltmp2, $3  }
0xcd: {  	_ =	sdelay $0x1  }
0xce: {  	[sflag:s21] =	ssyncset.done $0x0  }
0xcf: {  	[sflag:s21] =	ssyncadd.s32 $0xFFFFF800  }
0xd0: {  	_ =	sfence.sel $0x180000  }
0xd1: {  	[bflag:$0x0] =	sbarrier.arrive $0xFFFF  }
0xd2: {  	_ =	strace $0x9000004D  }
0xd3: {  	s0 =	stileid.u32;
	[bflag:$0x2] =	sbarrier.arrive $0xFFFF  }
0xd4: {  	p0 =	sne.s32 s0, $0x0;
	s0 =	rddreg [dreg:$0x3]  }
0xd5: {  	s0 =	sadd.s32 @!p0 $0x100000, s0  }
0xd6: {  	[sflag:s0] =	ssyncadd.tile.s32 @!p0 $0x1;
	_ =	shalt  }
.Lfunc_end2:
_tile_overlayer_lowered:
.L_overlay_start_2:
0xd7: {  	(tag) =	ssettag $0x2  }
0xd8: {  	s0 =	rddreg [dreg:$0x0];
	s2 =	stileid.u32  }
0xd9: {  	s1 =	rddreg [dreg:$0x1];
	p0 =	sne.s32 s2, $0x0  }
0xda: {  	s3 =	rddreg [dreg:$0x2];
	[bflag:$0x3] =	sbarrier.arrive $0xFFFF;
	s2 =	simm.s32 @!p0 $0x1C03  }
0xdb: {  	[timem:s3], [sflag:s2] =	dma.local @!p0 [hbm:s0], s1  }
0xdc: {  	s0 =	simm.s32 @!p0 $0x3  }
0xdd: {  	_ =	swait.ge @!p0 [sflag:s0], s1  }
0xde: {  	s1 =	ssub.s32 @!p0 $0x0, s1;
	[sflag:s0] =	ssyncset.done @!p0 $0x0  }
0xdf: {  	[sflag:s0] =	ssyncadd.s32 @!p0 s1  }
0xe0: {  	[bflag:$0x3] =	sbarrier.arrive $0xFFFF  }
0xe1: {  	_ =	shalt  }

</sc_bundles>
